<compile_context>
chip_gen: v7x
topology: tpu7x:2x2x1
jax: 0.10.2.dev20260603
libtpu: 0.0.44.dev20260713+nightly
codegen_flags: <defaults>
</compile_context>

<pallas_src>
import jax
import jax.numpy as jnp
from jax.experimental import pallas as pl
from jax.experimental.pallas import tpu as pltpu

_PRE_NMS_THRESH = 0.05
_PRE_NMS_TOP_N = 1000
_NMS_THRESH = 0.6
_POST_TOP_N = 100
_PAD = 1024


def _clip_decode(l, t, r, b, x, y, wid, hgt):
    x1 = jnp.minimum(jnp.maximum(x - l, 0.0), wid - 1.0)
    y1 = jnp.minimum(jnp.maximum(y - t, 0.0), hgt - 1.0)
    x2 = jnp.minimum(jnp.maximum(x + r, 0.0), wid - 1.0)
    y2 = jnp.minimum(jnp.maximum(y + b, 0.0), hgt - 1.0)
    return x1, y1, x2, y2


def _decode_nms_kernel(reg_ref, locx_ref, locy_ref, lab_ref, ts_ref,
                       wid_ref, hgt_ref, regt_ref, locxt_ref, locyt_ref,
                       labt_ref, widt_ref, hgtt_ref,
                       boxes_ref, keep_ref, score_ref, s_ref):
    l = reg_ref[:, 0, :]
    t = reg_ref[:, 1, :]
    r = reg_ref[:, 2, :]
    b = reg_ref[:, 3, :]
    x = locx_ref[:, 0, :]
    y = locy_ref[:, 0, :]
    wid = wid_ref[:, 0, :]
    hgt = hgt_ref[:, 0, :]
    x1, y1, x2, y2 = _clip_decode(l, t, r, b, x, y, wid, hgt)
    boxes_ref[:, 0, :] = x1
    boxes_ref[:, 1, :] = y1
    boxes_ref[:, 2, :] = x2
    boxes_ref[:, 3, :] = y2

    ts = ts_ref[:, 0, :]
    valid = (ts > 0.0) & ((x2 - x1) >= 0.0) & ((y2 - y1) >= 0.0)
    score_ref[:, 0, :] = jnp.where(valid, jnp.sqrt(jnp.maximum(ts, 1e-12)), 0.0)

    off = lab_ref[:, 0, :] * (jnp.maximum(wid, hgt) + 1.0)
    ox1 = x1 + off
    oy1 = y1 + off
    ox2 = x2 + off
    oy2 = y2 + off
    area = jnp.maximum(ox2 - ox1 + 1.0, 0.0) * jnp.maximum(oy2 - oy1 + 1.0, 0.0)

    regt = regt_ref[...][0]
    cx = locxt_ref[...][0]
    cy = locyt_ref[...][0]
    cwid = widt_ref[...][0]
    chgt = hgtt_ref[...][0]
    cx1, cy1, cx2, cy2 = _clip_decode(
        regt[:, 0:1], regt[:, 1:2], regt[:, 2:3], regt[:, 3:4],
        cx, cy, cwid, chgt)
    coff = labt_ref[...][0] * (jnp.maximum(cwid, chgt) + 1.0)
    px1 = cx1 + coff
    py1 = cy1 + coff
    px2 = cx2 + coff
    py2 = cy2 + coff
    parea = jnp.maximum(px2 - px1 + 1.0, 0.0) * jnp.maximum(py2 - py1 + 1.0, 0.0)

    ix1 = jnp.maximum(px1, ox1)
    iy1 = jnp.maximum(py1, oy1)
    ix2 = jnp.minimum(px2, ox2)
    iy2 = jnp.minimum(py2, oy2)
    inter = jnp.maximum(ix2 - ix1 + 1.0, 0.0) * jnp.maximum(iy2 - iy1 + 1.0, 0.0)
    union = parea + area - inter
    iou = inter / jnp.maximum(union, 1e-6)
    rows = jax.lax.broadcasted_iota(jnp.int32, (_PAD, _PAD), 0)
    cols = jax.lax.broadcasted_iota(jnp.int32, (_PAD, _PAD), 1)
    s_ref[...] = ((iou > _NMS_THRESH) & (cols > rows)).astype(jnp.float32)

    lane = jax.lax.broadcasted_iota(jnp.int32, (1, _PAD), 1)

    def body(o, k):
        base = o * 8
        rows = s_ref[pl.ds(base, 8), :]
        for u in range(8):
            i = base + u
            row = rows[u:u + 1, :]
            ki = jnp.sum(jnp.where(lane == i, k, 0.0), axis=1, keepdims=True)
            k = k * (1.0 - row * ki)
        return k

    keep_ref[:, 0, :] = jax.lax.fori_loop(
        0, _PAD // 8, body, valid.astype(jnp.float32))


def kernel(locations, box_cls, box_regression, centerness, image_sizes):
    N, C, H, W = box_cls.shape
    HW = H * W
    cls = jax.nn.sigmoid(jnp.transpose(box_cls, (0, 2, 3, 1)).reshape(N, -1, C))
    cent = jax.nn.sigmoid(jnp.transpose(centerness, (0, 2, 3, 1)).reshape(N, -1))
    candidate = cls > _PRE_NMS_THRESH
    scores = cls * cent[:, :, None]
    flat = jnp.where(candidate, scores, 0.0).reshape(N, -1)
    ts, ti = jax.lax.top_k(flat, _PRE_NMS_TOP_N)
    loc_idx = ti // C
    labels = ti % C + 1

    reg = jnp.transpose(box_regression, (0, 2, 3, 1)).reshape(N, HW, 4)
    reg_sel = jnp.take_along_axis(reg, loc_idx[..., None], axis=1)
    locx = locations[:, 0][loc_idx]
    locy = locations[:, 1][loc_idx]

    pad = _PAD - _PRE_NMS_TOP_N

    def padl(a):
        return jnp.pad(a, ((0, 0), (0, pad)))

    lab_f = labels.astype(jnp.float32)
    reg_p = jnp.pad(reg_sel.transpose(0, 2, 1), ((0, 0), (0, 0), (0, pad)))
    regt_p = jnp.pad(reg_sel, ((0, 0), (0, pad), (0, 0)))
    locx_p = padl(locx)
    locy_p = padl(locy)
    lab_p = padl(lab_f)
    ts_p = padl(ts)
    wid_b = jnp.broadcast_to(
        image_sizes[:, 1].astype(jnp.float32)[:, None], (N, _PAD))
    hgt_b = jnp.broadcast_to(
        image_sizes[:, 0].astype(jnp.float32)[:, None], (N, _PAD))

    def row3(a):
        return a[:, None, :]

    def col3(a):
        return a[:, :, None]

    spec_r4 = pl.BlockSpec((1, 4, _PAD), lambda n: (n, 0, 0))
    spec_row = pl.BlockSpec((1, 1, _PAD), lambda n: (n, 0, 0))
    spec_c4 = pl.BlockSpec((1, _PAD, 4), lambda n: (n, 0, 0))
    spec_col = pl.BlockSpec((1, _PAD, 1), lambda n: (n, 0, 0))

    boxes, keep, sc = pl.pallas_call(
        _decode_nms_kernel,
        grid=(N,),
        in_specs=[spec_r4, spec_row, spec_row, spec_row, spec_row,
                  spec_row, spec_row, spec_c4, spec_col, spec_col,
                  spec_col, spec_col, spec_col],
        out_specs=[spec_r4, spec_row, spec_row],
        out_shape=(jax.ShapeDtypeStruct((N, 4, _PAD), jnp.float32),
                   jax.ShapeDtypeStruct((N, 1, _PAD), jnp.float32),
                   jax.ShapeDtypeStruct((N, 1, _PAD), jnp.float32)),
        scratch_shapes=[pltpu.VMEM((_PAD, _PAD), jnp.float32)],
    )(reg_p, row3(locx_p), row3(locy_p), row3(lab_p), row3(ts_p),
      row3(wid_b), row3(hgt_b), regt_p, col3(locx_p), col3(locy_p),
      col3(lab_p), col3(wid_b), col3(hgt_b))

    masked = keep[:, 0, :] * sc[:, 0, :]
    fs, fidx = jax.lax.top_k(masked, _POST_TOP_N)
    fboxes = jnp.take_along_axis(
        boxes.transpose(0, 2, 1), fidx[..., None], axis=1)
    flabels = jnp.take_along_axis(padl(labels), fidx, axis=1)
    return fboxes, fs, flabels

# --- scband reference (transcript-rebuilt; emitter-appended) ---
"""Pipeline reference for scband-fcospost-processor-81243601371357 (READ-ONLY COPY).

The authoritative reference and input builder live on the scoring server;
editing this copy changes nothing except your own understanding.
"""

import jax, jax.numpy as jnp
import numpy as np

PRE_NMS_THRESH = 0.05
PRE_NMS_TOP_N = 1000
NMS_THRESH = 0.6
FPN_POST_NMS_TOP_N = 100
MIN_SIZE = 0
NUM_CLASSES = 80
STRIDE = 8
N_IMG, H, W = 2, 128, 128


def setup_inputs(seed: int = 0):
    key = jax.random.key(seed)
    k1, k2, k3 = jax.random.split(key, 3)
    ys = jnp.arange(H, dtype=jnp.float32) * STRIDE + STRIDE // 2
    xs = jnp.arange(W, dtype=jnp.float32) * STRIDE + STRIDE // 2
    yy, xx = jnp.meshgrid(ys, xs, indexing='ij')
    locations = jnp.stack([xx.reshape(-1), yy.reshape(-1)], axis=1)  # [HW, 2] (x, y)
    box_cls = jax.random.normal(k1, (N_IMG, NUM_CLASSES, H, W), dtype=jnp.float32) - 2.0
    box_regression = jax.random.uniform(k2, (N_IMG, 4, H, W), dtype=jnp.float32) * 64.0
    centerness = jax.random.normal(k3, (N_IMG, 1, H, W), dtype=jnp.float32)
    image_sizes = jnp.full((N_IMG, 2), H * STRIDE, dtype=jnp.int32)  # (h, w) per image
    return {'locations': locations, 'box_cls': box_cls,
            'box_regression': box_regression, 'centerness': centerness,
            'image_sizes': image_sizes}


def _pairwise_iou(boxes):
    # boxes: [N, n, 4] in xyxy; legacy +1 area convention (maskrcnn-benchmark C nms)
    x1, y1, x2, y2 = boxes[..., 0], boxes[..., 1], boxes[..., 2], boxes[..., 3]
    area = jnp.maximum(x2 - x1 + 1.0, 0.0) * jnp.maximum(y2 - y1 + 1.0, 0.0)
    ix1 = jnp.maximum(x1[:, :, None], x1[:, None, :])
    iy1 = jnp.maximum(y1[:, :, None], y1[:, None, :])
    ix2 = jnp.minimum(x2[:, :, None], x2[:, None, :])
    iy2 = jnp.minimum(y2[:, :, None], y2[:, None, :])
    inter = jnp.maximum(ix2 - ix1 + 1.0, 0.0) * jnp.maximum(iy2 - iy1 + 1.0, 0.0)
    union = area[:, :, None] + area[:, None, :] - inter
    return inter / jnp.maximum(union, 1e-6)


def reference(locations, box_cls, box_regression, centerness, image_sizes):
    N, C, Hh, Ww = box_cls.shape
    cls = jax.nn.sigmoid(jnp.transpose(box_cls, (0, 2, 3, 1)).reshape(N, -1, C))
    reg = jnp.transpose(box_regression, (0, 2, 3, 1)).reshape(N, -1, 4)
    cent = jax.nn.sigmoid(jnp.transpose(centerness, (0, 2, 3, 1)).reshape(N, -1))
    candidate = cls > PRE_NMS_THRESH
    scores = cls * cent[:, :, None]
    x = locations[:, 0][None, :]
    y = locations[:, 1][None, :]
    boxes = jnp.stack([x - reg[..., 0], y - reg[..., 1],
                       x + reg[..., 2], y + reg[..., 3]], axis=-1)  # [N, HW, 4]
    flat = jnp.where(candidate, scores, 0.0).reshape(N, -1)  # [N, HW*C]
    top_scores, top_idx = jax.lax.top_k(flat, PRE_NMS_TOP_N)  # sorted desc
    loc_idx = top_idx // C
    labels = top_idx % C + 1
    sel = jnp.take_along_axis(boxes, loc_idx[..., None], axis=1)  # [N, n, 4]
    hgt = image_sizes[:, 0].astype(jnp.float32)[:, None]
    wid = image_sizes[:, 1].astype(jnp.float32)[:, None]
    x1 = jnp.clip(sel[..., 0], 0.0, wid - 1.0)
    y1 = jnp.clip(sel[..., 1], 0.0, hgt - 1.0)
    x2 = jnp.clip(sel[..., 2], 0.0, wid - 1.0)
    y2 = jnp.clip(sel[..., 3], 0.0, hgt - 1.0)
    sel = jnp.stack([x1, y1, x2, y2], axis=-1)
    keep_size = ((x2 - x1) >= MIN_SIZE) & ((y2 - y1) >= MIN_SIZE)
    valid = (top_scores > 0.0) & keep_size
    sel_scores = jnp.where(valid, jnp.sqrt(jnp.maximum(top_scores, 1e-12)), 0.0)
    # multi-label (class-aware) NMS via per-class coordinate offset
    offset = labels.astype(jnp.float32) * (jnp.maximum(wid, hgt) + 1.0)
    ious = _pairwise_iou(sel + offset[..., None])
    n = PRE_NMS_TOP_N
    idxr = jnp.arange(n)
    keep = valid
    for i in range(n):
        suppress = (ious[:, i, :] > NMS_THRESH) & (idxr[None, :] > i) & keep[:, i:i + 1]
        keep = keep & (~suppress)
    masked = jnp.where(keep, sel_scores, 0.0)
    fs, fidx = jax.lax.top_k(masked, FPN_POST_NMS_TOP_N)
    fboxes = jnp.take_along_axis(sel, fidx[..., None], axis=1)
    flabels = jnp.take_along_axis(labels, fidx, axis=1)
    return fboxes, fs, flabels

if __name__ == "__main__":
    import jax
    _d = setup_inputs()
    print(jax.jit(kernel)(*tuple(_d.values())))

</pallas_src>

<mosaic_0001>
module attributes {stable_mosaic.version = 14 : i64} {
  func.func @_decode_nms_kernel(%arg0: i32, %arg1: memref<1x4x1024xf32, #tpu.memory_space<vmem>>, %arg2: memref<1x1x1024xf32, #tpu.memory_space<vmem>>, %arg3: memref<1x1x1024xf32, #tpu.memory_space<vmem>>, %arg4: memref<1x1x1024xf32, #tpu.memory_space<vmem>>, %arg5: memref<1x1x1024xf32, #tpu.memory_space<vmem>>, %arg6: memref<1x1x1024xf32, #tpu.memory_space<vmem>>, %arg7: memref<1x1x1024xf32, #tpu.memory_space<vmem>>, %arg8: memref<1x1024x4xf32, #tpu.memory_space<vmem>>, %arg9: memref<1x1024x1xf32, #tpu.memory_space<vmem>>, %arg10: memref<1x1024x1xf32, #tpu.memory_space<vmem>>, %arg11: memref<1x1024x1xf32, #tpu.memory_space<vmem>>, %arg12: memref<1x1024x1xf32, #tpu.memory_space<vmem>>, %arg13: memref<1x1024x1xf32, #tpu.memory_space<vmem>>, %arg14: memref<1x4x1024xf32, #tpu.memory_space<vmem>>, %arg15: memref<1x1x1024xf32, #tpu.memory_space<vmem>>, %arg16: memref<1x1x1024xf32, #tpu.memory_space<vmem>>, %arg17: memref<1024x1024xf32, #tpu.memory_space<vmem>>) attributes {dimension_semantics = [#tpu.dimension_semantics<arbitrary>], iteration_bounds = array<i64: 2>, scalar_prefetch = 0 : i64, scratch_operands = 1 : i64, tpu.core_type = #tpu.core_type<tc>, window_params = [{transform_indices = @transform_0, window_bounds = array<i64: 1, 4, 1024>}, {transform_indices = @transform_1, window_bounds = array<i64: 1, 1, 1024>}, {transform_indices = @transform_2, window_bounds = array<i64: 1, 1, 1024>}, {transform_indices = @transform_3, window_bounds = array<i64: 1, 1, 1024>}, {transform_indices = @transform_4, window_bounds = array<i64: 1, 1, 1024>}, {transform_indices = @transform_5, window_bounds = array<i64: 1, 1, 1024>}, {transform_indices = @transform_6, window_bounds = array<i64: 1, 1, 1024>}, {transform_indices = @transform_7, window_bounds = array<i64: 1, 1024, 4>}, {transform_indices = @transform_8, window_bounds = array<i64: 1, 1024, 1>}, {transform_indices = @transform_9, window_bounds = array<i64: 1, 1024, 1>}, {transform_indices = @transform_10, window_bounds = array<i64: 1, 1024, 1>}, {transform_indices = @transform_11, window_bounds = array<i64: 1, 1024, 1>}, {transform_indices = @transform_12, window_bounds = array<i64: 1, 1024, 1>}, {transform_indices = @transform_13, window_bounds = array<i64: 1, 4, 1024>}, {transform_indices = @transform_14, window_bounds = array<i64: 1, 1, 1024>}, {transform_indices = @transform_15, window_bounds = array<i64: 1, 1, 1024>}]} {
    %get3A = arith.constant 0 : index
    %get3A_0 = arith.constant 0 : index
    %get3A_1 = arith.constant 0 : index
    %get3A_2 = vector.load %arg1[%get3A, %get3A_0, %get3A_1] : memref<1x4x1024xf32, #tpu.memory_space<vmem>>, vector<1x1x1024xf32>
    %get3A_3 = vector.shape_cast %get3A_2 : vector<1x1x1024xf32> to vector<1x1024xf32>
    %get3A_4 = arith.constant 0 : index
    %get3A_5 = arith.constant 1 : index
    %get3A_6 = arith.constant 0 : index
    %get3A_7 = vector.load %arg1[%get3A_4, %get3A_5, %get3A_6] : memref<1x4x1024xf32, #tpu.memory_space<vmem>>, vector<1x1x1024xf32>
    %get3A_8 = vector.shape_cast %get3A_7 : vector<1x1x1024xf32> to vector<1x1024xf32>
    %get3A_9 = arith.constant 0 : index
    %get3A_10 = arith.constant 2 : index
    %get3A_11 = arith.constant 0 : index
    %get3A_12 = vector.load %arg1[%get3A_9, %get3A_10, %get3A_11] : memref<1x4x1024xf32, #tpu.memory_space<vmem>>, vector<1x1x1024xf32>
    %get3A_13 = vector.shape_cast %get3A_12 : vector<1x1x1024xf32> to vector<1x1024xf32>
    %get3A_14 = arith.constant 0 : index
    %get3A_15 = arith.constant 3 : index
    %get3A_16 = arith.constant 0 : index
    %get3A_17 = vector.load %arg1[%get3A_14, %get3A_15, %get3A_16] : memref<1x4x1024xf32, #tpu.memory_space<vmem>>, vector<1x1x1024xf32>
    %get3A_18 = vector.shape_cast %get3A_17 : vector<1x1x1024xf32> to vector<1x1024xf32>
    %get3A_19 = arith.constant 0 : index
    %get3A_20 = arith.constant 0 : index
    %get3A_21 = arith.constant 0 : index
    %get3A_22 = vector.load %arg2[%get3A_19, %get3A_20, %get3A_21] : memref<1x1x1024xf32, #tpu.memory_space<vmem>>, vector<1x1x1024xf32>
    %get3A_23 = vector.shape_cast %get3A_22 : vector<1x1x1024xf32> to vector<1x1024xf32>
    %get3A_24 = arith.constant 0 : index
    %get3A_25 = arith.constant 0 : index
    %get3A_26 = arith.constant 0 : index
    %get3A_27 = vector.load %arg3[%get3A_24, %get3A_25, %get3A_26] : memref<1x1x1024xf32, #tpu.memory_space<vmem>>, vector<1x1x1024xf32>
    %get3A_28 = vector.shape_cast %get3A_27 : vector<1x1x1024xf32> to vector<1x1024xf32>
    %get3A_29 = arith.constant 0 : index
    %get3A_30 = arith.constant 0 : index
    %get3A_31 = arith.constant 0 : index
    %get3A_32 = vector.load %arg6[%get3A_29, %get3A_30, %get3A_31] : memref<1x1x1024xf32, #tpu.memory_space<vmem>>, vector<1x1x1024xf32>
    %get3A_33 = vector.shape_cast %get3A_32 : vector<1x1x1024xf32> to vector<1x1024xf32>
    %get3A_34 = arith.constant 0 : index
    %get3A_35 = arith.constant 0 : index
    %get3A_36 = arith.constant 0 : index
    %get3A_37 = vector.load %arg7[%get3A_34, %get3A_35, %get3A_36] : memref<1x1x1024xf32, #tpu.memory_space<vmem>>, vector<1x1x1024xf32>
    %get3A_38 = vector.shape_cast %get3A_37 : vector<1x1x1024xf32> to vector<1x1024xf32>
    %sub3A = arith.subf %get3A_23, %get3A_3 : vector<1x1024xf32>
    %max3A = arith.constant 0.000000e+00 : f32
    %max3A_39 = vector.broadcast %max3A : f32 to vector<1x1024xf32>
    %max3A_40 = arith.maximumf %sub3A, %max3A_39 : vector<1x1024xf32>
    %sub3A_41 = arith.constant 1.000000e+00 : f32
    %sub3A_42 = vector.broadcast %sub3A_41 : f32 to vector<1x1024xf32>
    %sub3A_43 = arith.subf %get3A_33, %sub3A_42 : vector<1x1024xf32>
    %min3A = arith.minimumf %max3A_40, %sub3A_43 : vector<1x1024xf32>
    %sub3A_44 = arith.subf %get3A_28, %get3A_8 : vector<1x1024xf32>
    %max3A_45 = arith.constant 0.000000e+00 : f32
    %max3A_46 = vector.broadcast %max3A_45 : f32 to vector<1x1024xf32>
    %max3A_47 = arith.maximumf %sub3A_44, %max3A_46 : vector<1x1024xf32>
    %sub3A_48 = arith.constant 1.000000e+00 : f32
    %sub3A_49 = vector.broadcast %sub3A_48 : f32 to vector<1x1024xf32>
    %sub3A_50 = arith.subf %get3A_38, %sub3A_49 : vector<1x1024xf32>
    %min3A_51 = arith.minimumf %max3A_47, %sub3A_50 : vector<1x1024xf32>
    %add3A = arith.addf %get3A_23, %get3A_13 : vector<1x1024xf32>
    %max3A_52 = arith.constant 0.000000e+00 : f32
    %max3A_53 = vector.broadcast %max3A_52 : f32 to vector<1x1024xf32>
    %max3A_54 = arith.maximumf %add3A, %max3A_53 : vector<1x1024xf32>
    %sub3A_55 = arith.constant 1.000000e+00 : f32
    %sub3A_56 = vector.broadcast %sub3A_55 : f32 to vector<1x1024xf32>
    %sub3A_57 = arith.subf %get3A_33, %sub3A_56 : vector<1x1024xf32>
    %min3A_58 = arith.minimumf %max3A_54, %sub3A_57 : vector<1x1024xf32>
    %add3A_59 = arith.addf %get3A_28, %get3A_18 : vector<1x1024xf32>
    %max3A_60 = arith.constant 0.000000e+00 : f32
    %max3A_61 = vector.broadcast %max3A_60 : f32 to vector<1x1024xf32>
    %max3A_62 = arith.maximumf %add3A_59, %max3A_61 : vector<1x1024xf32>
    %sub3A_63 = arith.constant 1.000000e+00 : f32
    %sub3A_64 = vector.broadcast %sub3A_63 : f32 to vector<1x1024xf32>
    %sub3A_65 = arith.subf %get3A_38, %sub3A_64 : vector<1x1024xf32>
    %min3A_66 = arith.minimumf %max3A_62, %sub3A_65 : vector<1x1024xf32>
    %swap3A = arith.constant 0 : index
    %swap3A_67 = arith.constant 0 : index
    %swap3A_68 = arith.constant 0 : index
    %swap3A_69 = vector.load %arg14[%swap3A, %swap3A_67, %swap3A_68] : memref<1x4x1024xf32, #tpu.memory_space<vmem>>, vector<1x1x1024xf32>
    %swap3A_70 = vector.shape_cast %swap3A_69 : vector<1x1x1024xf32> to vector<1x1024xf32>
    %swap3A_71 = vector.shape_cast %min3A : vector<1x1024xf32> to vector<1x1x1024xf32>
    tpu.vector_store %arg14[%swap3A, %swap3A_67, %swap3A_68], %swap3A_71 {strides = array<i32>} : memref<1x4x1024xf32, #tpu.memory_space<vmem>>, vector<1x1x1024xf32>,
    %swap3A_72 = arith.constant 0 : index
    %swap3A_73 = arith.constant 1 : index
    %swap3A_74 = arith.constant 0 : index
    %swap3A_75 = vector.load %arg14[%swap3A_72, %swap3A_73, %swap3A_74] : memref<1x4x1024xf32, #tpu.memory_space<vmem>>, vector<1x1x1024xf32>
    %swap3A_76 = vector.shape_cast %swap3A_75 : vector<1x1x1024xf32> to vector<1x1024xf32>
    %swap3A_77 = vector.shape_cast %min3A_51 : vector<1x1024xf32> to vector<1x1x1024xf32>
    tpu.vector_store %arg14[%swap3A_72, %swap3A_73, %swap3A_74], %swap3A_77 {strides = array<i32>} : memref<1x4x1024xf32, #tpu.memory_space<vmem>>, vector<1x1x1024xf32>,
    %swap3A_78 = arith.constant 0 : index
    %swap3A_79 = arith.constant 2 : index
    %swap3A_80 = arith.constant 0 : index
    %swap3A_81 = vector.load %arg14[%swap3A_78, %swap3A_79, %swap3A_80] : memref<1x4x1024xf32, #tpu.memory_space<vmem>>, vector<1x1x1024xf32>
    %swap3A_82 = vector.shape_cast %swap3A_81 : vector<1x1x1024xf32> to vector<1x1024xf32>
    %swap3A_83 = vector.shape_cast %min3A_58 : vector<1x1024xf32> to vector<1x1x1024xf32>
    tpu.vector_store %arg14[%swap3A_78, %swap3A_79, %swap3A_80], %swap3A_83 {strides = array<i32>} : memref<1x4x1024xf32, #tpu.memory_space<vmem>>, vector<1x1x1024xf32>,
    %swap3A_84 = arith.constant 0 : index
    %swap3A_85 = arith.constant 3 : index
    %swap3A_86 = arith.constant 0 : index
    %swap3A_87 = vector.load %arg14[%swap3A_84, %swap3A_85, %swap3A_86] : memref<1x4x1024xf32, #tpu.memory_space<vmem>>, vector<1x1x1024xf32>
    %swap3A_88 = vector.shape_cast %swap3A_87 : vector<1x1x1024xf32> to vector<1x1024xf32>
    %swap3A_89 = vector.shape_cast %min3A_66 : vector<1x1024xf32> to vector<1x1x1024xf32>
    tpu.vector_store %arg14[%swap3A_84, %swap3A_85, %swap3A_86], %swap3A_89 {strides = array<i32>} : memref<1x4x1024xf32, #tpu.memory_space<vmem>>, vector<1x1x1024xf32>,
    %get3A_90 = arith.constant 0 : index
    %get3A_91 = arith.constant 0 : index
    %get3A_92 = arith.constant 0 : index
    %get3A_93 = vector.load %arg5[%get3A_90, %get3A_91, %get3A_92] : memref<1x1x1024xf32, #tpu.memory_space<vmem>>, vector<1x1x1024xf32>
    %get3A_94 = vector.shape_cast %get3A_93 : vector<1x1x1024xf32> to vector<1x1024xf32>
    %gt3A = arith.constant 0.000000e+00 : f32
    %gt3A_95 = vector.broadcast %gt3A : f32 to vector<1x1024xf32>
    %gt3A_96 = arith.cmpf ogt, %get3A_94, %gt3A_95 : vector<1x1024xf32>
    %sub3A_97 = arith.subf %min3A_58, %min3A : vector<1x1024xf32>
    %ge3A = arith.constant 0.000000e+00 : f32
    %ge3A_98 = vector.broadcast %ge3A : f32 to vector<1x1024xf32>
    %ge3A_99 = arith.cmpf oge, %sub3A_97, %ge3A_98 : vector<1x1024xf32>
    %and3A = arith.andi %gt3A_96, %ge3A_99 : vector<1x1024xi1>
    %sub3A_100 = arith.subf %min3A_66, %min3A_51 : vector<1x1024xf32>
    %ge3A_101 = arith.constant 0.000000e+00 : f32
    %ge3A_102 = vector.broadcast %ge3A_101 : f32 to vector<1x1024xf32>
    %ge3A_103 = arith.cmpf oge, %sub3A_100, %ge3A_102 : vector<1x1024xf32>
    %and3A_104 = arith.andi %and3A, %ge3A_103 : vector<1x1024xi1>
    %max3A_105 = arith.constant 9.99999996E-13 : f32
    %max3A_106 = vector.broadcast %max3A_105 : f32 to vector<1x1024xf32>
    %max3A_107 = arith.maximumf %get3A_94, %max3A_106 : vector<1x1024xf32>
    %sqrt3A = math.sqrt %max3A_107 : vector<1x1024xf32>
    %jit3A = arith.constant 0.000000e+00 : f32
    %broadcast_in_dim3A = vector.broadcast %jit3A : f32 to vector<1x1024xf32>
    %select_n3A = arith.select %and3A_104, %sqrt3A, %broadcast_in_dim3A : vector<1x1024xi1>, vector<1x1024xf32>
    %swap3A_108 = arith.constant 0 : index
    %swap3A_109 = arith.constant 0 : index
    %swap3A_110 = arith.constant 0 : index
    %swap3A_111 = vector.load %arg16[%swap3A_108, %swap3A_109, %swap3A_110] : memref<1x1x1024xf32, #tpu.memory_space<vmem>>, vector<1x1x1024xf32>
    %swap3A_112 = vector.shape_cast %swap3A_111 : vector<1x1x1024xf32> to vector<1x1024xf32>
    %swap3A_113 = vector.shape_cast %select_n3A : vector<1x1024xf32> to vector<1x1x1024xf32>
    tpu.vector_store %arg16[%swap3A_108, %swap3A_109, %swap3A_110], %swap3A_113 {strides = array<i32>} : memref<1x1x1024xf32, #tpu.memory_space<vmem>>, vector<1x1x1024xf32>,
    %get3A_114 = arith.constant 0 : index
    %get3A_115 = arith.constant 0 : index
    %get3A_116 = arith.constant 0 : index
    %get3A_117 = vector.load %arg4[%get3A_114, %get3A_115, %get3A_116] : memref<1x1x1024xf32, #tpu.memory_space<vmem>>, vector<1x1x1024xf32>
    %get3A_118 = vector.shape_cast %get3A_117 : vector<1x1x1024xf32> to vector<1x1024xf32>
    %max3A_119 = arith.maximumf %get3A_33, %get3A_38 : vector<1x1024xf32>
    %add3A_120 = arith.constant 1.000000e+00 : f32
    %add3A_121 = vector.broadcast %add3A_120 : f32 to vector<1x1024xf32>
    %add3A_122 = arith.addf %max3A_119, %add3A_121 : vector<1x1024xf32>
    %mul3A = arith.mulf %get3A_118, %add3A_122 : vector<1x1024xf32>
    %add3A_123 = arith.addf %min3A, %mul3A : vector<1x1024xf32>
    %add3A_124 = arith.addf %min3A_51, %mul3A : vector<1x1024xf32>
    %add3A_125 = arith.addf %min3A_58, %mul3A : vector<1x1024xf32>
    %add3A_126 = arith.addf %min3A_66, %mul3A : vector<1x1024xf32>
    %sub3A_127 = arith.subf %add3A_125, %add3A_123 : vector<1x1024xf32>
    %add3A_128 = arith.constant 1.000000e+00 : f32
    %add3A_129 = vector.broadcast %add3A_128 : f32 to vector<1x1024xf32>
    %add3A_130 = arith.addf %sub3A_127, %add3A_129 : vector<1x1024xf32>
    %max3A_131 = arith.constant 0.000000e+00 : f32
    %max3A_132 = vector.broadcast %max3A_131 : f32 to vector<1x1024xf32>
    %max3A_133 = arith.maximumf %add3A_130, %max3A_132 : vector<1x1024xf32>
    %sub3A_134 = arith.subf %add3A_126, %add3A_124 : vector<1x1024xf32>
    %add3A_135 = arith.constant 1.000000e+00 : f32
    %add3A_136 = vector.broadcast %add3A_135 : f32 to vector<1x1024xf32>
    %add3A_137 = arith.addf %sub3A_134, %add3A_136 : vector<1x1024xf32>
    %max3A_138 = arith.constant 0.000000e+00 : f32
    %max3A_139 = vector.broadcast %max3A_138 : f32 to vector<1x1024xf32>
    %max3A_140 = arith.maximumf %add3A_137, %max3A_139 : vector<1x1024xf32>
    %mul3A_141 = arith.mulf %max3A_133, %max3A_140 : vector<1x1024xf32>
    %get3A_142 = arith.constant 0 : index
    %get3A_143 = arith.constant 0 : index
    %get3A_144 = arith.constant 0 : index
    %get3A_145 = vector.load %arg8[%get3A_142, %get3A_143, %get3A_144] : memref<1x1024x4xf32, #tpu.memory_space<vmem>>, vector<1x1024x4xf32>
    %squeeze3A = vector.shape_cast %get3A_145 : vector<1x1024x4xf32> to vector<1024x4xf32>
    %get3A_146 = arith.constant 0 : index
    %get3A_147 = arith.constant 0 : index
    %get3A_148 = arith.constant 0 : index
    %get3A_149 = vector.load %arg9[%get3A_146, %get3A_147, %get3A_148] : memref<1x1024x1xf32, #tpu.memory_space<vmem>>, vector<1x1024x1xf32>
    %squeeze3A_150 = vector.shape_cast %get3A_149 : vector<1x1024x1xf32> to vector<1024x1xf32>
    %get3A_151 = arith.constant 0 : index
    %get3A_152 = arith.constant 0 : index
    %get3A_153 = arith.constant 0 : index
    %get3A_154 = vector.load %arg10[%get3A_151, %get3A_152, %get3A_153] : memref<1x1024x1xf32, #tpu.memory_space<vmem>>, vector<1x1024x1xf32>
    %squeeze3A_155 = vector.shape_cast %get3A_154 : vector<1x1024x1xf32> to vector<1024x1xf32>
    %get3A_156 = arith.constant 0 : index
    %get3A_157 = arith.constant 0 : index
    %get3A_158 = arith.constant 0 : index
    %get3A_159 = vector.load %arg12[%get3A_156, %get3A_157, %get3A_158] : memref<1x1024x1xf32, #tpu.memory_space<vmem>>, vector<1x1024x1xf32>
    %squeeze3A_160 = vector.shape_cast %get3A_159 : vector<1x1024x1xf32> to vector<1024x1xf32>
    %get3A_161 = arith.constant 0 : index
    %get3A_162 = arith.constant 0 : index
    %get3A_163 = arith.constant 0 : index
    %get3A_164 = vector.load %arg13[%get3A_161, %get3A_162, %get3A_163] : memref<1x1024x1xf32, #tpu.memory_space<vmem>>, vector<1x1024x1xf32>
    %squeeze3A_165 = vector.shape_cast %get3A_164 : vector<1x1024x1xf32> to vector<1024x1xf32>
    %slice3A = vector.extract_strided_slice %squeeze3A {offsets = [0, 0], sizes = [1024, 1], strides = [1, 1]} : vector<1024x4xf32> to vector<1024x1xf32>
    %slice3A_166 = vector.extract_strided_slice %squeeze3A {offsets = [0, 1], sizes = [1024, 1], strides = [1, 1]} : vector<1024x4xf32> to vector<1024x1xf32>
    %slice3A_167 = vector.extract_strided_slice %squeeze3A {offsets = [0, 2], sizes = [1024, 1], strides = [1, 1]} : vector<1024x4xf32> to vector<1024x1xf32>
    %slice3A_168 = vector.extract_strided_slice %squeeze3A {offsets = [0, 3], sizes = [1024, 1], strides = [1, 1]} : vector<1024x4xf32> to vector<1024x1xf32>
    %sub3A_169 = arith.subf %squeeze3A_150, %slice3A : vector<1024x1xf32>
    %max3A_170 = arith.constant 0.000000e+00 : f32
    %max3A_171 = vector.broadcast %max3A_170 : f32 to vector<1024x1xf32>
    %max3A_172 = arith.maximumf %sub3A_169, %max3A_171 : vector<1024x1xf32>
    %sub3A_173 = arith.constant 1.000000e+00 : f32
    %sub3A_174 = vector.broadcast %sub3A_173 : f32 to vector<1024x1xf32>
    %sub3A_175 = arith.subf %squeeze3A_160, %sub3A_174 : vector<1024x1xf32>
    %min3A_176 = arith.minimumf %max3A_172, %sub3A_175 : vector<1024x1xf32>
    %sub3A_177 = arith.subf %squeeze3A_155, %slice3A_166 : vector<1024x1xf32>
    %max3A_178 = arith.constant 0.000000e+00 : f32
    %max3A_179 = vector.broadcast %max3A_178 : f32 to vector<1024x1xf32>
    %max3A_180 = arith.maximumf %sub3A_177, %max3A_179 : vector<1024x1xf32>
    %sub3A_181 = arith.constant 1.000000e+00 : f32
    %sub3A_182 = vector.broadcast %sub3A_181 : f32 to vector<1024x1xf32>
    %sub3A_183 = arith.subf %squeeze3A_165, %sub3A_182 : vector<1024x1xf32>
    %min3A_184 = arith.minimumf %max3A_180, %sub3A_183 : vector<1024x1xf32>
    %add3A_185 = arith.addf %squeeze3A_150, %slice3A_167 : vector<1024x1xf32>
    %max3A_186 = arith.constant 0.000000e+00 : f32
    %max3A_187 = vector.broadcast %max3A_186 : f32 to vector<1024x1xf32>
    %max3A_188 = arith.maximumf %add3A_185, %max3A_187 : vector<1024x1xf32>
    %sub3A_189 = arith.constant 1.000000e+00 : f32
    %sub3A_190 = vector.broadcast %sub3A_189 : f32 to vector<1024x1xf32>
    %sub3A_191 = arith.subf %squeeze3A_160, %sub3A_190 : vector<1024x1xf32>
    %min3A_192 = arith.minimumf %max3A_188, %sub3A_191 : vector<1024x1xf32>
    %add3A_193 = arith.addf %squeeze3A_155, %slice3A_168 : vector<1024x1xf32>
    %max3A_194 = arith.constant 0.000000e+00 : f32
    %max3A_195 = vector.broadcast %max3A_194 : f32 to vector<1024x1xf32>
    %max3A_196 = arith.maximumf %add3A_193, %max3A_195 : vector<1024x1xf32>
    %sub3A_197 = arith.constant 1.000000e+00 : f32
    %sub3A_198 = vector.broadcast %sub3A_197 : f32 to vector<1024x1xf32>
    %sub3A_199 = arith.subf %squeeze3A_165, %sub3A_198 : vector<1024x1xf32>
    %min3A_200 = arith.minimumf %max3A_196, %sub3A_199 : vector<1024x1xf32>
    %get3A_201 = arith.constant 0 : index
    %get3A_202 = arith.constant 0 : index
    %get3A_203 = arith.constant 0 : index
    %get3A_204 = vector.load %arg11[%get3A_201, %get3A_202, %get3A_203] : memref<1x1024x1xf32, #tpu.memory_space<vmem>>, vector<1x1024x1xf32>
    %squeeze3A_205 = vector.shape_cast %get3A_204 : vector<1x1024x1xf32> to vector<1024x1xf32>
    %max3A_206 = arith.maximumf %squeeze3A_160, %squeeze3A_165 : vector<1024x1xf32>
    %add3A_207 = arith.constant 1.000000e+00 : f32
    %add3A_208 = vector.broadcast %add3A_207 : f32 to vector<1024x1xf32>
    %add3A_209 = arith.addf %max3A_206, %add3A_208 : vector<1024x1xf32>
    %mul3A_210 = arith.mulf %squeeze3A_205, %add3A_209 : vector<1024x1xf32>
    %add3A_211 = arith.addf %min3A_176, %mul3A_210 : vector<1024x1xf32>
    %add3A_212 = arith.addf %min3A_184, %mul3A_210 : vector<1024x1xf32>
    %add3A_213 = arith.addf %min3A_192, %mul3A_210 : vector<1024x1xf32>
    %add3A_214 = arith.addf %min3A_200, %mul3A_210 : vector<1024x1xf32>
    %sub3A_215 = arith.subf %add3A_213, %add3A_211 : vector<1024x1xf32>
    %add3A_216 = arith.constant 1.000000e+00 : f32
    %add3A_217 = vector.broadcast %add3A_216 : f32 to vector<1024x1xf32>
    %add3A_218 = arith.addf %sub3A_215, %add3A_217 : vector<1024x1xf32>
    %max3A_219 = arith.constant 0.000000e+00 : f32
    %max3A_220 = vector.broadcast %max3A_219 : f32 to vector<1024x1xf32>
    %max3A_221 = arith.maximumf %add3A_218, %max3A_220 : vector<1024x1xf32>
    %sub3A_222 = arith.subf %add3A_214, %add3A_212 : vector<1024x1xf32>
    %add3A_223 = arith.constant 1.000000e+00 : f32
    %add3A_224 = vector.broadcast %add3A_223 : f32 to vector<1024x1xf32>
    %add3A_225 = arith.addf %sub3A_222, %add3A_224 : vector<1024x1xf32>
    %max3A_226 = arith.constant 0.000000e+00 : f32
    %max3A_227 = vector.broadcast %max3A_226 : f32 to vector<1024x1xf32>
    %max3A_228 = arith.maximumf %add3A_225, %max3A_227 : vector<1024x1xf32>
    %mul3A_229 = arith.mulf %max3A_221, %max3A_228 : vector<1024x1xf32>
    %max3A_230 = vector.broadcast %add3A_211 : vector<1024x1xf32> to vector<1024x1024xf32>
    %max3A_231 = vector.broadcast %add3A_123 : vector<1x1024xf32> to vector<1024x1024xf32>
    %max3A_232 = arith.maximumf %max3A_230, %max3A_231 : vector<1024x1024xf32>
    %max3A_233 = vector.broadcast %add3A_212 : vector<1024x1xf32> to vector<1024x1024xf32>
    %max3A_234 = vector.broadcast %add3A_124 : vector<1x1024xf32> to vector<1024x1024xf32>
    %max3A_235 = arith.maximumf %max3A_233, %max3A_234 : vector<1024x1024xf32>
    %min3A_236 = vector.broadcast %add3A_213 : vector<1024x1xf32> to vector<1024x1024xf32>
    %min3A_237 = vector.broadcast %add3A_125 : vector<1x1024xf32> to vector<1024x1024xf32>
    %min3A_238 = arith.minimumf %min3A_236, %min3A_237 : vector<1024x1024xf32>
    %min3A_239 = vector.broadcast %add3A_214 : vector<1024x1xf32> to vector<1024x1024xf32>
    %min3A_240 = vector.broadcast %add3A_126 : vector<1x1024xf32> to vector<1024x1024xf32>
    %min3A_241 = arith.minimumf %min3A_239, %min3A_240 : vector<1024x1024xf32>
    %sub3A_242 = arith.subf %min3A_238, %max3A_232 : vector<1024x1024xf32>
    %add3A_243 = arith.constant 1.000000e+00 : f32
    %add3A_244 = vector.broadcast %add3A_243 : f32 to vector<1024x1024xf32>
    %add3A_245 = arith.addf %sub3A_242, %add3A_244 : vector<1024x1024xf32>
    %max3A_246 = arith.constant 0.000000e+00 : f32
    %max3A_247 = vector.broadcast %max3A_246 : f32 to vector<1024x1024xf32>
    %max3A_248 = arith.maximumf %add3A_245, %max3A_247 : vector<1024x1024xf32>
    %sub3A_249 = arith.subf %min3A_241, %max3A_235 : vector<1024x1024xf32>
    %add3A_250 = arith.constant 1.000000e+00 : f32
    %add3A_251 = vector.broadcast %add3A_250 : f32 to vector<1024x1024xf32>
    %add3A_252 = arith.addf %sub3A_249, %add3A_251 : vector<1024x1024xf32>
    %max3A_253 = arith.constant 0.000000e+00 : f32
    %max3A_254 = vector.broadcast %max3A_253 : f32 to vector<1024x1024xf32>
    %max3A_255 = arith.maximumf %add3A_252, %max3A_254 : vector<1024x1024xf32>
    %mul3A_256 = arith.mulf %max3A_248, %max3A_255 : vector<1024x1024xf32>
    %add3A_257 = vector.broadcast %mul3A_229 : vector<1024x1xf32> to vector<1024x1024xf32>
    %add3A_258 = vector.broadcast %mul3A_141 : vector<1x1024xf32> to vector<1024x1024xf32>
    %add3A_259 = arith.addf %add3A_257, %add3A_258 : vector<1024x1024xf32>
    %sub3A_260 = arith.subf %add3A_259, %mul3A_256 : vector<1024x1024xf32>
    %max3A_261 = arith.constant 9.99999997E-7 : f32
    %max3A_262 = vector.broadcast %max3A_261 : f32 to vector<1024x1024xf32>
    %max3A_263 = arith.maximumf %sub3A_260, %max3A_262 : vector<1024x1024xf32>
    %div3A = arith.divf %mul3A_256, %max3A_263 : vector<1024x1024xf32>
    %iota3A = tpu.iota {dimensions = array<i32: 0>} : vector<1024x1024xi32>
    %iota3A_264 = tpu.iota {dimensions = array<i32: 1>} : vector<1024x1024xi32>
    %gt3A_265 = arith.constant 6.000000e-01 : f32
    %gt3A_266 = vector.broadcast %gt3A_265 : f32 to vector<1024x1024xf32>
    %gt3A_267 = arith.cmpf ogt, %div3A, %gt3A_266 : vector<1024x1024xf32>
    %gt3A_268 = arith.cmpi sgt, %iota3A_264, %iota3A : vector<1024x1024xi32>
    %and3A_269 = arith.andi %gt3A_267, %gt3A_268 : vector<1024x1024xi1>
    %convert_element_type3A = arith.extui %and3A_269 : vector<1024x1024xi1> to vector<1024x1024xi32>
    %convert_element_type3A_270 = arith.sitofp %convert_element_type3A : vector<1024x1024xi32> to vector<1024x1024xf32>
    %swap3A_271 = arith.constant 0 : index
    %swap3A_272 = arith.constant 0 : index
    %swap3A_273 = vector.load %arg17[%swap3A_271, %swap3A_272] : memref<1024x1024xf32, #tpu.memory_space<vmem>>, vector<1024x1024xf32>
    tpu.vector_store %arg17[%swap3A_271, %swap3A_272], %convert_element_type3A_270 {strides = array<i32>} : memref<1024x1024xf32, #tpu.memory_space<vmem>>, vector<1024x1024xf32>,
    %iota3A_274 = tpu.iota {dimensions = array<i32: 1>} : vector<1x1024xi32>
    %convert_element_type3A_275 = arith.extui %and3A_104 : vector<1x1024xi1> to vector<1x1024xi32>
    %convert_element_type3A_276 = arith.sitofp %convert_element_type3A_275 : vector<1x1024xi32> to vector<1x1024xf32>
    %scan3A = arith.constant 0 : i32
    %scan3A_277 = arith.constant 128 : i32
    %scan3A_278 = arith.addi %scan3A, %scan3A_277 : i32
    %scan3A_279 = arith.constant 1 : i32
    %scan3A_280 = scf.for %scan3A_288 = %scan3A to %scan3A_278 step %scan3A_279 iter_args(%scan3A_289 = %convert_element_type3A_276) -> (vector<1x1024xf32>)  : i32 {
      %mul3A_290 = arith.constant 8 : i32
      %mul3A_291 = arith.muli %scan3A_288, %mul3A_290 : i32
      %get3A_292 = arith.index_cast %mul3A_291 : i32 to index
      %get3A_293 = arith.constant 0 : index
      %get3A_294 = vector.load %arg17[%get3A_292, %get3A_293] : memref<1024x1024xf32, #tpu.memory_space<vmem>>, vector<8x1024xf32>
      %add3A_295 = arith.constant 0 : i32
      %add3A_296 = arith.addi %mul3A_291, %add3A_295 : i32
      %slice3A_297 = vector.extract_strided_slice %get3A_294 {offsets = [0, 0], sizes = [1, 1024], strides = [1, 1]} : vector<8x1024xf32> to vector<1x1024xf32>
      %eq3A = vector.broadcast %add3A_296 : i32 to vector<1x1024xi32>
      %eq3A_298 = arith.cmpi eq, %iota3A_274, %eq3A : vector<1x1024xi32>
      %jit3A_299 = arith.constant 0.000000e+00 : f32
      %broadcast_in_dim3A_300 = vector.broadcast %jit3A_299 : f32 to vector<1x1024xf32>
      %select_n3A_301 = arith.select %eq3A_298, %scan3A_289, %broadcast_in_dim3A_300 : vector<1x1024xi1>, vector<1x1024xf32>
      %reduce_sum3A = arith.constant dense<0.000000e+00> : vector<1xf32>
      %reduce_sum3A_302 = vector.multi_reduction <add>, %select_n3A_301, %reduce_sum3A [1] : vector<1x1024xf32> to vector<1xf32>
      %broadcast_in_dim3A_303 = vector.shape_cast %reduce_sum3A_302 : vector<1xf32> to vector<1x1xf32>
      %mul3A_304 = vector.broadcast %broadcast_in_dim3A_303 : vector<1x1xf32> to vector<1x1024xf32>
      %mul3A_305 = arith.mulf %slice3A_297, %mul3A_304 : vector<1x1024xf32>
      %sub3A_306 = arith.constant 1.000000e+00 : f32
      %sub3A_307 = vector.broadcast %sub3A_306 : f32 to vector<1x1024xf32>
      %sub3A_308 = arith.subf %sub3A_307, %mul3A_305 : vector<1x1024xf32>
      %mul3A_309 = arith.mulf %scan3A_289, %sub3A_308 : vector<1x1024xf32>
      %add3A_310 = arith.constant 1 : i32
      %add3A_311 = arith.addi %mul3A_291, %add3A_310 : i32
      %slice3A_312 = vector.extract_strided_slice %get3A_294 {offsets = [1, 0], sizes = [1, 1024], strides = [1, 1]} : vector<8x1024xf32> to vector<1x1024xf32>
      %eq3A_313 = vector.broadcast %add3A_311 : i32 to vector<1x1024xi32>
      %eq3A_314 = arith.cmpi eq, %iota3A_274, %eq3A_313 : vector<1x1024xi32>
      %jit3A_315 = arith.constant 0.000000e+00 : f32
      %broadcast_in_dim3A_316 = vector.broadcast %jit3A_315 : f32 to vector<1x1024xf32>
      %select_n3A_317 = arith.select %eq3A_314, %mul3A_309, %broadcast_in_dim3A_316 : vector<1x1024xi1>, vector<1x1024xf32>
      %reduce_sum3A_318 = arith.constant dense<0.000000e+00> : vector<1xf32>
      %reduce_sum3A_319 = vector.multi_reduction <add>, %select_n3A_317, %reduce_sum3A_318 [1] : vector<1x1024xf32> to vector<1xf32>
      %broadcast_in_dim3A_320 = vector.shape_cast %reduce_sum3A_319 : vector<1xf32> to vector<1x1xf32>
      %mul3A_321 = vector.broadcast %broadcast_in_dim3A_320 : vector<1x1xf32> to vector<1x1024xf32>
      %mul3A_322 = arith.mulf %slice3A_312, %mul3A_321 : vector<1x1024xf32>
      %sub3A_323 = arith.constant 1.000000e+00 : f32
      %sub3A_324 = vector.broadcast %sub3A_323 : f32 to vector<1x1024xf32>
      %sub3A_325 = arith.subf %sub3A_324, %mul3A_322 : vector<1x1024xf32>
      %mul3A_326 = arith.mulf %mul3A_309, %sub3A_325 : vector<1x1024xf32>
      %add3A_327 = arith.constant 2 : i32
      %add3A_328 = arith.addi %mul3A_291, %add3A_327 : i32
      %slice3A_329 = vector.extract_strided_slice %get3A_294 {offsets = [2, 0], sizes = [1, 1024], strides = [1, 1]} : vector<8x1024xf32> to vector<1x1024xf32>
      %eq3A_330 = vector.broadcast %add3A_328 : i32 to vector<1x1024xi32>
      %eq3A_331 = arith.cmpi eq, %iota3A_274, %eq3A_330 : vector<1x1024xi32>
      %jit3A_332 = arith.constant 0.000000e+00 : f32
      %broadcast_in_dim3A_333 = vector.broadcast %jit3A_332 : f32 to vector<1x1024xf32>
      %select_n3A_334 = arith.select %eq3A_331, %mul3A_326, %broadcast_in_dim3A_333 : vector<1x1024xi1>, vector<1x1024xf32>
      %reduce_sum3A_335 = arith.constant dense<0.000000e+00> : vector<1xf32>
      %reduce_sum3A_336 = vector.multi_reduction <add>, %select_n3A_334, %reduce_sum3A_335 [1] : vector<1x1024xf32> to vector<1xf32>
      %broadcast_in_dim3A_337 = vector.shape_cast %reduce_sum3A_336 : vector<1xf32> to vector<1x1xf32>
      %mul3A_338 = vector.broadcast %broadcast_in_dim3A_337 : vector<1x1xf32> to vector<1x1024xf32>
      %mul3A_339 = arith.mulf %slice3A_329, %mul3A_338 : vector<1x1024xf32>
      %sub3A_340 = arith.constant 1.000000e+00 : f32
      %sub3A_341 = vector.broadcast %sub3A_340 : f32 to vector<1x1024xf32>
      %sub3A_342 = arith.subf %sub3A_341, %mul3A_339 : vector<1x1024xf32>
      %mul3A_343 = arith.mulf %mul3A_326, %sub3A_342 : vector<1x1024xf32>
      %add3A_344 = arith.constant 3 : i32
      %add3A_345 = arith.addi %mul3A_291, %add3A_344 : i32
      %slice3A_346 = vector.extract_strided_slice %get3A_294 {offsets = [3, 0], sizes = [1, 1024], strides = [1, 1]} : vector<8x1024xf32> to vector<1x1024xf32>
      %eq3A_347 = vector.broadcast %add3A_345 : i32 to vector<1x1024xi32>
      %eq3A_348 = arith.cmpi eq, %iota3A_274, %eq3A_347 : vector<1x1024xi32>
      %jit3A_349 = arith.constant 0.000000e+00 : f32
      %broadcast_in_dim3A_350 = vector.broadcast %jit3A_349 : f32 to vector<1x1024xf32>
      %select_n3A_351 = arith.select %eq3A_348, %mul3A_343, %broadcast_in_dim3A_350 : vector<1x1024xi1>, vector<1x1024xf32>
      %reduce_sum3A_352 = arith.constant dense<0.000000e+00> : vector<1xf32>
      %reduce_sum3A_353 = vector.multi_reduction <add>, %select_n3A_351, %reduce_sum3A_352 [1] : vector<1x1024xf32> to vector<1xf32>
      %broadcast_in_dim3A_354 = vector.shape_cast %reduce_sum3A_353 : vector<1xf32> to vector<1x1xf32>
      %mul3A_355 = vector.broadcast %broadcast_in_dim3A_354 : vector<1x1xf32> to vector<1x1024xf32>
      %mul3A_356 = arith.mulf %slice3A_346, %mul3A_355 : vector<1x1024xf32>
      %sub3A_357 = arith.constant 1.000000e+00 : f32
      %sub3A_358 = vector.broadcast %sub3A_357 : f32 to vector<1x1024xf32>
      %sub3A_359 = arith.subf %sub3A_358, %mul3A_356 : vector<1x1024xf32>
      %mul3A_360 = arith.mulf %mul3A_343, %sub3A_359 : vector<1x1024xf32>
      %add3A_361 = arith.constant 4 : i32
      %add3A_362 = arith.addi %mul3A_291, %add3A_361 : i32
      %slice3A_363 = vector.extract_strided_slice %get3A_294 {offsets = [4, 0], sizes = [1, 1024], strides = [1, 1]} : vector<8x1024xf32> to vector<1x1024xf32>
      %eq3A_364 = vector.broadcast %add3A_362 : i32 to vector<1x1024xi32>
      %eq3A_365 = arith.cmpi eq, %iota3A_274, %eq3A_364 : vector<1x1024xi32>
      %jit3A_366 = arith.constant 0.000000e+00 : f32
      %broadcast_in_dim3A_367 = vector.broadcast %jit3A_366 : f32 to vector<1x1024xf32>
      %select_n3A_368 = arith.select %eq3A_365, %mul3A_360, %broadcast_in_dim3A_367 : vector<1x1024xi1>, vector<1x1024xf32>
      %reduce_sum3A_369 = arith.constant dense<0.000000e+00> : vector<1xf32>
      %reduce_sum3A_370 = vector.multi_reduction <add>, %select_n3A_368, %reduce_sum3A_369 [1] : vector<1x1024xf32> to vector<1xf32>
      %broadcast_in_dim3A_371 = vector.shape_cast %reduce_sum3A_370 : vector<1xf32> to vector<1x1xf32>
      %mul3A_372 = vector.broadcast %broadcast_in_dim3A_371 : vector<1x1xf32> to vector<1x1024xf32>
      %mul3A_373 = arith.mulf %slice3A_363, %mul3A_372 : vector<1x1024xf32>
      %sub3A_374 = arith.constant 1.000000e+00 : f32
      %sub3A_375 = vector.broadcast %sub3A_374 : f32 to vector<1x1024xf32>
      %sub3A_376 = arith.subf %sub3A_375, %mul3A_373 : vector<1x1024xf32>
      %mul3A_377 = arith.mulf %mul3A_360, %sub3A_376 : vector<1x1024xf32>
      %add3A_378 = arith.constant 5 : i32
      %add3A_379 = arith.addi %mul3A_291, %add3A_378 : i32
      %slice3A_380 = vector.extract_strided_slice %get3A_294 {offsets = [5, 0], sizes = [1, 1024], strides = [1, 1]} : vector<8x1024xf32> to vector<1x1024xf32>
      %eq3A_381 = vector.broadcast %add3A_379 : i32 to vector<1x1024xi32>
      %eq3A_382 = arith.cmpi eq, %iota3A_274, %eq3A_381 : vector<1x1024xi32>
      %jit3A_383 = arith.constant 0.000000e+00 : f32
      %broadcast_in_dim3A_384 = vector.broadcast %jit3A_383 : f32 to vector<1x1024xf32>
      %select_n3A_385 = arith.select %eq3A_382, %mul3A_377, %broadcast_in_dim3A_384 : vector<1x1024xi1>, vector<1x1024xf32>
      %reduce_sum3A_386 = arith.constant dense<0.000000e+00> : vector<1xf32>
      %reduce_sum3A_387 = vector.multi_reduction <add>, %select_n3A_385, %reduce_sum3A_386 [1] : vector<1x1024xf32> to vector<1xf32>
      %broadcast_in_dim3A_388 = vector.shape_cast %reduce_sum3A_387 : vector<1xf32> to vector<1x1xf32>
      %mul3A_389 = vector.broadcast %broadcast_in_dim3A_388 : vector<1x1xf32> to vector<1x1024xf32>
      %mul3A_390 = arith.mulf %slice3A_380, %mul3A_389 : vector<1x1024xf32>
      %sub3A_391 = arith.constant 1.000000e+00 : f32
      %sub3A_392 = vector.broadcast %sub3A_391 : f32 to vector<1x1024xf32>
      %sub3A_393 = arith.subf %sub3A_392, %mul3A_390 : vector<1x1024xf32>
      %mul3A_394 = arith.mulf %mul3A_377, %sub3A_393 : vector<1x1024xf32>
      %add3A_395 = arith.constant 6 : i32
      %add3A_396 = arith.addi %mul3A_291, %add3A_395 : i32
      %slice3A_397 = vector.extract_strided_slice %get3A_294 {offsets = [6, 0], sizes = [1, 1024], strides = [1, 1]} : vector<8x1024xf32> to vector<1x1024xf32>
      %eq3A_398 = vector.broadcast %add3A_396 : i32 to vector<1x1024xi32>
      %eq3A_399 = arith.cmpi eq, %iota3A_274, %eq3A_398 : vector<1x1024xi32>
      %jit3A_400 = arith.constant 0.000000e+00 : f32
      %broadcast_in_dim3A_401 = vector.broadcast %jit3A_400 : f32 to vector<1x1024xf32>
      %select_n3A_402 = arith.select %eq3A_399, %mul3A_394, %broadcast_in_dim3A_401 : vector<1x1024xi1>, vector<1x1024xf32>
      %reduce_sum3A_403 = arith.constant dense<0.000000e+00> : vector<1xf32>
      %reduce_sum3A_404 = vector.multi_reduction <add>, %select_n3A_402, %reduce_sum3A_403 [1] : vector<1x1024xf32> to vector<1xf32>
      %broadcast_in_dim3A_405 = vector.shape_cast %reduce_sum3A_404 : vector<1xf32> to vector<1x1xf32>
      %mul3A_406 = vector.broadcast %broadcast_in_dim3A_405 : vector<1x1xf32> to vector<1x1024xf32>
      %mul3A_407 = arith.mulf %slice3A_397, %mul3A_406 : vector<1x1024xf32>
      %sub3A_408 = arith.constant 1.000000e+00 : f32
      %sub3A_409 = vector.broadcast %sub3A_408 : f32 to vector<1x1024xf32>
      %sub3A_410 = arith.subf %sub3A_409, %mul3A_407 : vector<1x1024xf32>
      %mul3A_411 = arith.mulf %mul3A_394, %sub3A_410 : vector<1x1024xf32>
      %add3A_412 = arith.constant 7 : i32
      %add3A_413 = arith.addi %mul3A_291, %add3A_412 : i32
      %slice3A_414 = vector.extract_strided_slice %get3A_294 {offsets = [7, 0], sizes = [1, 1024], strides = [1, 1]} : vector<8x1024xf32> to vector<1x1024xf32>
      %eq3A_415 = vector.broadcast %add3A_413 : i32 to vector<1x1024xi32>
      %eq3A_416 = arith.cmpi eq, %iota3A_274, %eq3A_415 : vector<1x1024xi32>
      %jit3A_417 = arith.constant 0.000000e+00 : f32
      %broadcast_in_dim3A_418 = vector.broadcast %jit3A_417 : f32 to vector<1x1024xf32>
      %select_n3A_419 = arith.select %eq3A_416, %mul3A_411, %broadcast_in_dim3A_418 : vector<1x1024xi1>, vector<1x1024xf32>
      %reduce_sum3A_420 = arith.constant dense<0.000000e+00> : vector<1xf32>
      %reduce_sum3A_421 = vector.multi_reduction <add>, %select_n3A_419, %reduce_sum3A_420 [1] : vector<1x1024xf32> to vector<1xf32>
      %broadcast_in_dim3A_422 = vector.shape_cast %reduce_sum3A_421 : vector<1xf32> to vector<1x1xf32>
      %mul3A_423 = vector.broadcast %broadcast_in_dim3A_422 : vector<1x1xf32> to vector<1x1024xf32>
      %mul3A_424 = arith.mulf %slice3A_414, %mul3A_423 : vector<1x1024xf32>
      %sub3A_425 = arith.constant 1.000000e+00 : f32
      %sub3A_426 = vector.broadcast %sub3A_425 : f32 to vector<1x1024xf32>
      %sub3A_427 = arith.subf %sub3A_426, %mul3A_424 : vector<1x1024xf32>
      %mul3A_428 = arith.mulf %mul3A_411, %sub3A_427 : vector<1x1024xf32>
      scf.yield %mul3A_428 : vector<1x1024xf32>
    }
    %scan3A_281 = arith.constant 128 : i32
    %swap3A_282 = arith.constant 0 : index
    %swap3A_283 = arith.constant 0 : index
    %swap3A_284 = arith.constant 0 : index
    %swap3A_285 = vector.load %arg15[%swap3A_282, %swap3A_283, %swap3A_284] : memref<1x1x1024xf32, #tpu.memory_space<vmem>>, vector<1x1x1024xf32>
    %swap3A_286 = vector.shape_cast %swap3A_285 : vector<1x1x1024xf32> to vector<1x1024xf32>
    %swap3A_287 = vector.shape_cast %scan3A_280 : vector<1x1024xf32> to vector<1x1x1024xf32>
    tpu.vector_store %arg15[%swap3A_282, %swap3A_283, %swap3A_284], %swap3A_287 {strides = array<i32>} : memref<1x1x1024xf32, #tpu.memory_space<vmem>>, vector<1x1x1024xf32>,
    return
  }
  func.func @transform_0(%arg0: i32) -> (i32, i32, i32) {
    %c0_i32 = arith.constant 0 : i32
    %c0_i32_0 = arith.constant 0 : i32
    %c0_i32_1 = arith.constant 0 : i32
    return %arg0, %c0_i32, %c0_i32_0 : i32, i32, i32
  }
  func.func @transform_1(%arg0: i32) -> (i32, i32, i32) {
    %c0_i32 = arith.constant 0 : i32
    %c0_i32_0 = arith.constant 0 : i32
    %c0_i32_1 = arith.constant 0 : i32
    return %arg0, %c0_i32, %c0_i32_0 : i32, i32, i32
  }
  func.func @transform_2(%arg0: i32) -> (i32, i32, i32) {
    %c0_i32 = arith.constant 0 : i32
    %c0_i32_0 = arith.constant 0 : i32
    %c0_i32_1 = arith.constant 0 : i32
    return %arg0, %c0_i32, %c0_i32_0 : i32, i32, i32
  }
  func.func @transform_3(%arg0: i32) -> (i32, i32, i32) {
    %c0_i32 = arith.constant 0 : i32
    %c0_i32_0 = arith.constant 0 : i32
    %c0_i32_1 = arith.constant 0 : i32
    return %arg0, %c0_i32, %c0_i32_0 : i32, i32, i32
  }
  func.func @transform_4(%arg0: i32) -> (i32, i32, i32) {
    %c0_i32 = arith.constant 0 : i32
    %c0_i32_0 = arith.constant 0 : i32
    %c0_i32_1 = arith.constant 0 : i32
    return %arg0, %c0_i32, %c0_i32_0 : i32, i32, i32
  }
  func.func @transform_5(%arg0: i32) -> (i32, i32, i32) {
    %c0_i32 = arith.constant 0 : i32
    %c0_i32_0 = arith.constant 0 : i32
    %c0_i32_1 = arith.constant 0 : i32
    return %arg0, %c0_i32, %c0_i32_0 : i32, i32, i32
  }
  func.func @transform_6(%arg0: i32) -> (i32, i32, i32) {
    %c0_i32 = arith.constant 0 : i32
    %c0_i32_0 = arith.constant 0 : i32
    %c0_i32_1 = arith.constant 0 : i32
    return %arg0, %c0_i32, %c0_i32_0 : i32, i32, i32
  }
  func.func @transform_7(%arg0: i32) -> (i32, i32, i32) {
    %c0_i32 = arith.constant 0 : i32
    %c0_i32_0 = arith.constant 0 : i32
    %c0_i32_1 = arith.constant 0 : i32
    return %arg0, %c0_i32, %c0_i32_0 : i32, i32, i32
  }
  func.func @transform_8(%arg0: i32) -> (i32, i32, i32) {
    %c0_i32 = arith.constant 0 : i32
    %c0_i32_0 = arith.constant 0 : i32
    %c0_i32_1 = arith.constant 0 : i32
    return %arg0, %c0_i32, %c0_i32_0 : i32, i32, i32
  }
  func.func @transform_9(%arg0: i32) -> (i32, i32, i32) {
    %c0_i32 = arith.constant 0 : i32
    %c0_i32_0 = arith.constant 0 : i32
    %c0_i32_1 = arith.constant 0 : i32
    return %arg0, %c0_i32, %c0_i32_0 : i32, i32, i32
  }
  func.func @transform_10(%arg0: i32) -> (i32, i32, i32) {
    %c0_i32 = arith.constant 0 : i32
    %c0_i32_0 = arith.constant 0 : i32
    %c0_i32_1 = arith.constant 0 : i32
    return %arg0, %c0_i32, %c0_i32_0 : i32, i32, i32
  }
  func.func @transform_11(%arg0: i32) -> (i32, i32, i32) {
    %c0_i32 = arith.constant 0 : i32
    %c0_i32_0 = arith.constant 0 : i32
    %c0_i32_1 = arith.constant 0 : i32
    return %arg0, %c0_i32, %c0_i32_0 : i32, i32, i32
  }
  func.func @transform_12(%arg0: i32) -> (i32, i32, i32) {
    %c0_i32 = arith.constant 0 : i32
    %c0_i32_0 = arith.constant 0 : i32
    %c0_i32_1 = arith.constant 0 : i32
    return %arg0, %c0_i32, %c0_i32_0 : i32, i32, i32
  }
  func.func @transform_13(%arg0: i32) -> (i32, i32, i32) {
    %c0_i32 = arith.constant 0 : i32
    %c0_i32_0 = arith.constant 0 : i32
    %c0_i32_1 = arith.constant 0 : i32
    return %arg0, %c0_i32, %c0_i32_0 : i32, i32, i32
  }
  func.func @transform_14(%arg0: i32) -> (i32, i32, i32) {
    %c0_i32 = arith.constant 0 : i32
    %c0_i32_0 = arith.constant 0 : i32
    %c0_i32_1 = arith.constant 0 : i32
    return %arg0, %c0_i32, %c0_i32_0 : i32, i32, i32
  }
  func.func @transform_15(%arg0: i32) -> (i32, i32, i32) {
    %c0_i32 = arith.constant 0 : i32
    %c0_i32_0 = arith.constant 0 : i32
    %c0_i32_1 = arith.constant 0 : i32
    return %arg0, %c0_i32, %c0_i32_0 : i32, i32, i32
  }
}

</mosaic_0001>

<sc_bundles>
// kernel: gather_offload_async_start.1
scs
__scs_entry_jumppad:
0x0: {  	(pc) =	sbr.rel $0x88, $3  }
0x1: {  	(tag) =	ssettag $0x0;
	lr =	simm.s32 $0x1  }
0x2: {  	[smem:$0x3F9C] =	sst lr;
	_ =	strace $0xD0000000  }
0x3: {  	_ = 	snop  }
0x4: {  	_ = 	snop  }
0x5: {  	_ = 	snop  }
0x6: {  	_ = 	snop  }
0x7: {  	_ = 	snop  }
__scs_overlays_trampoline_lowered:
0x8: {  	[smem:$0x3FAB] =	sst s0  }
0x9: {  	[smem:$0x3FAC] =	sst s1  }
0xa: {  	[smem:$0x3FAD] =	sst s2  }
0xb: {  	[smem:$0x3FAE] =	sst s3  }
0xc: {  	[smem:$0x3FAF] =	sst s4  }
0xd: {  	[smem:$0x3FB0] =	sst s5  }
0xe: {  	[smem:$0x3FB1] =	sst s6  }
0xf: {  	[smem:$0x3FB2] =	sst s7  }
0x10: {  	[smem:$0x3FB3] =	sst s8  }
0x11: {  	[smem:$0x3FB4] =	sst s9;
	s0 =	simm.s32 @!p0 $0x0  }
0x12: {  	s1 =	sld [smem:$0x3F9A];
	s0 =	simm.s32 @p0 $0x1  }
0x13: {  	[smem:$0x3FB5] =	sst s0;
	s0 =	simm.s32 @!p1 $0x0  }
0x14: {  	s2 =	sld [smem:$0x3F99];
	s0 =	simm.s32 @p1 $0x1  }
0x15: {  	[smem:$0x3FB6] =	sst s0;
	s0 =	simm.s32 @!p2 $0x0  }
0x16: {  	s3 =	sld [smem:$0x3FDB];
	s0 =	simm.s32 @p2 $0x1  }
0x17: {  	s4 =	simm.s32 $0x1BF5;
	[smem:$0x3FB8] =	sst s0  }
0x18: {  	s0 =	sld [smem:$0x3F9B];
	_ =	swait.ge [sflag:s4], $0x0  }
0x19: {  	s7 =	sld [smem:$0x3F9C]  }
0x1a: {  	s8 =	sadd.s32 $0xFFFFE003, lr  }
0x1b: {  	s9 =	sadd.s32 $0xFFFFFEF7, lr;
	s5 =	simm.s32 $0xFFFFFFFF;
	p2 =	slt.u32 s8, $0xFFFFF086  }
0x1c: {  	p1 =	slt.u32 s9, $0xF7A;
	s5 =	simm.s32 @!p2 $0x0  }
0x1d: {  	s5 =	simm.s32 @p1 $0x1;
	p0 =	seq.s32 s7, s2  }
0x1e: {  	s7 =	smul.u32 @!p0 $0xF7A, s2;
	p2 =	seq.s32 @!p0 s5, $0x0  }
0x1f: {  	s9 =	smul.u32 $0xF7A, s1;
	s8 =	simm.s32 @!p0 $0x1BF5;
	p2 =	por !p2, p0  }
0x20: {  	[sflag:s8] =	ssyncset.s32 @!p0 $0xFFFFF086;
	s6 =	sadd.s32 @!p0 s3, s7;
	s7 =	simm.s32 @!p0 $0x108  }
0x21: {  	s3 =	sadd.s32 s3, s9;
	s6 =	sadd.s32 @!p0 $0x88, s6;
	s7 =	simm.s32 @p2 $0x1082  }
0x22: {  	[simem:s7], [sflag:s8] =	dma.local @!p0 [hbm:s6], $0xF7A  }
0x23: {  	s9 =	sor.u32 $0xD0000000, s2;
	s6 =	simm.s32 $0x108;
	_ =	swait.ge @!p0 [sflag:s8], $0x0  }
0x24: {  	s3 =	sadd.s32 $0x88, s3;
	s6 =	simm.s32 @!p1 $0x1082;
	[sflag:s4] =	ssyncset.s32 $0xFFFFF086  }
0x25: {  	[simem:s6], [sflag:s4] =	dma.local [hbm:s3], $0xF7A  }
0x26: {  	[smem:$0x3F9C] =	sst s1;
	(tag) =	ssettag s2;
	_ =	strace s9  }
0x27: {  	s1 =	sld [smem:$0x3FAC]  }
0x28: {  	s2 =	sld [smem:$0x3FAD]  }
0x29: {  	s4 =	sld [smem:$0x3FAF]  }
0x2a: {  	p0 =	seq.s32 s5, $0x0;
	s5 =	sld [smem:$0x3FB0]  }
0x2b: {  	s6 =	sld [smem:$0x3FB1]  }
0x2c: {  	s7 =	sld [smem:$0x3FB2]  }
0x2d: {  	s3 =	simm.s32 $0x108;
	s8 =	sld [smem:$0x3FB3]  }
0x2e: {  	s3 =	simm.s32 @!p0 $0x1082;
	s9 =	sld [smem:$0x3FB4]  }
0x2f: {  	lr =	sadd.s32 s0, s3;
	s0 =	sld [smem:$0x3FAB]  }
0x30: {  	s3 =	sld [smem:$0x3FAE]  }
0x31: {  	[smem:$0x3FB7] =	sst s10  }
0x32: {  	s10 =	sld [smem:$0x3FB5];
	_ =	sdelay $0x3  }
0x33: {  	p0 =	seq.s32 s10, $0x1;
	s10 =	sld [smem:$0x3FB7];
	_ =	sdelay $0x3  }
0x34: {  	[smem:$0x3FB7] =	sst s10  }
0x35: {  	s10 =	sld [smem:$0x3FB6];
	_ =	sdelay $0x3  }
0x36: {  	p1 =	seq.s32 s10, $0x1;
	s10 =	sld [smem:$0x3FB7];
	_ =	sdelay $0x3  }
0x37: {  	[smem:$0x3FB7] =	sst s10  }
0x38: {  	s10 =	sld [smem:$0x3FB8]  }
0x39: {  	_ = 	snop;
	(pc) =	sbr.ind lr, $3  }
0x3a: {  	_ = 	snop  }
0x3b: {  	_ = 	snop  }
0x3c: {  	p2 =	seq.s32 s10, $0x1;
	s10 =	sld [smem:$0x3FB7]  }
0x3d: {  	_ =	shalt  }
0x3e: {  	_ =	shalt  }
0x3f: {  	_ =	shalt  }
0x40: {  	_ =	shalt  }
0x41: {  	_ =	shalt  }
0x42: {  	_ =	shalt  }
0x43: {  	_ =	shalt  }
0x44: {  	_ =	shalt  }
0x45: {  	_ =	shalt  }
0x46: {  	_ =	shalt  }
0x47: {  	_ =	shalt  }
0x48: {  	_ =	shalt  }
0x49: {  	_ =	shalt  }
0x4a: {  	_ =	shalt  }
0x4b: {  	_ =	shalt  }
0x4c: {  	_ =	shalt  }
0x4d: {  	_ =	shalt  }
0x4e: {  	_ =	shalt  }
0x4f: {  	_ =	shalt  }
0x50: {  	_ =	shalt  }
0x51: {  	_ =	shalt  }
0x52: {  	_ =	shalt  }
0x53: {  	_ =	shalt  }
0x54: {  	_ =	shalt  }
0x55: {  	_ =	shalt  }
0x56: {  	_ =	shalt  }
0x57: {  	_ =	shalt  }
0x58: {  	_ =	shalt  }
0x59: {  	_ =	shalt  }
0x5a: {  	_ =	shalt  }
0x5b: {  	_ =	shalt  }
0x5c: {  	_ =	shalt  }
0x5d: {  	_ =	shalt  }
0x5e: {  	_ =	shalt  }
0x5f: {  	_ =	shalt  }
0x60: {  	_ =	shalt  }
0x61: {  	_ =	shalt  }
0x62: {  	_ =	shalt  }
0x63: {  	_ =	shalt  }
0x64: {  	_ =	shalt  }
0x65: {  	_ =	shalt  }
0x66: {  	_ =	shalt  }
0x67: {  	_ =	shalt  }
0x68: {  	_ =	shalt  }
0x69: {  	_ =	shalt  }
0x6a: {  	_ =	shalt  }
0x6b: {  	_ =	shalt  }
0x6c: {  	_ =	shalt  }
0x6d: {  	_ =	shalt  }
0x6e: {  	_ =	shalt  }
0x6f: {  	_ =	shalt  }
0x70: {  	_ =	shalt  }
0x71: {  	_ =	shalt  }
0x72: {  	_ =	shalt  }
0x73: {  	_ =	shalt  }
0x74: {  	_ =	shalt  }
0x75: {  	_ =	shalt  }
0x76: {  	_ =	shalt  }
0x77: {  	_ =	shalt  }
0x78: {  	_ =	shalt  }
0x79: {  	_ =	shalt  }
0x7a: {  	_ =	shalt  }
0x7b: {  	_ =	shalt  }
0x7c: {  	_ =	shalt  }
0x7d: {  	_ =	shalt  }
0x7e: {  	_ =	shalt  }
0x7f: {  	_ =	shalt  }
0x80: {  	_ =	shalt  }
0x81: {  	_ =	shalt  }
0x82: {  	_ =	shalt  }
0x83: {  	_ =	shalt  }
0x84: {  	_ =	shalt  }
0x85: {  	_ =	shalt  }
0x86: {  	_ =	shalt  }
0x87: {  	_ =	shalt  }
.Lfunc_end0:
.L_simem_size_0:
called_computation.1_lowered:
.L_overlay_start_0:
0x88: {  	s0 =	sld [smem:$0x3FD9]  }
0x89: {  	s1 =	sld [smem:$0x3FFE];
	_ =	sdelay $0x3  }
0x8a: {  	s0 =	sadd.s32 s1, s0  }
0x8b: {  	[smem:$0x3FC3] =	sst s0  }
0x8c: {  	_ = 	snop  }
0x8d: {  	(tm) =	ssettm $0x1  }
0x8e: {  	s15 =	sld [smem:$0x3FFB];
	_ =	sdelay $0x3  }
0x8f: {  	_ =	strace s15  }
0x90: {  	s0 =	sld [smem:$0x3FFC];
	_ =	sdelay $0x3  }
0x91: {  	_ =	strace s0  }
0x92: {  	s0 =	sld [smem:$0x3FFD];
	_ =	sdelay $0x3  }
0x93: {  	_ =	strace s0  }
0x94: {  	_ =	strace $0x8FFFFFFF  }
0x95: {  	s16 =	sld [smem:$0x3FDB];
	_ =	sdelay $0x1  }
0x96: {  	s17 =	simm.s32 $_scs_section_size  }
0x97: {  	s2 =	simm.s32 $_size__tile_overlayer_lowered;
	s3 =	simm.s32 $_tile_overlayer_lowered  }
0x98: {  	s20 =	simm.s32 $0x1BFF;
	s19 =	sshll.u32 s3, $0x1;
	s0 =	sadd.s32 s17, s16  }
0x99: {  	s4 =	simm.s32 $0x0;
	s18 =	sshll.u32 s2, $0x1;
	s2 =	sadd.s32 s19, s0  }
0x9a: {  	[timem:s4], [sflag:s20] =	dma.local [hbm:s2], s18  }
0x9b: {  	_ =	swait.ge [sflag:s20], s18  }
0x9c: {  	s1 =	ssub.s32 $0x0, s18;
	[sflag:s20] =	ssyncset.done $0x0  }
0x9d: {  	[sflag:s20] =	ssyncadd.s32 s1;
	_ =	sdelay $0x1  }
0x9e: {  	s21 =	simm.s32 $0x1B8B  }
0x9f: {  	_ =	swait.ge [sflag:s21], $0x1  }
0xa0: {  	[sflag:s21] =	ssyncset.done $0x0  }
0xa1: {  	s23 =	simm.s32 $0x1B8E;
	s22 =	sld [smem:$0x3FFE];
	[sflag:s21] =	ssyncadd.s32 $0xFFFFFFFF  }
0xa2: {  	s24 =	simm.s32 $execute0_lowered;
	[smem:$0x3FD2] =	sst s23  }
0xa3: {  	s2 =	sshll.u32 s24, $0x1;
	_ =	strace $0x80000046;
	[dreg:$0x1] =	wrdreg $0xFFFFFFFF  }
0xa4: {  	s25 =	simm.s32 $_size_execute0_lowered;
	s0 =	sadd.s32 s0, s2;
	[dreg:$0x0] =	wrdreg $0x0  }
0xa5: {  	s2 =	sshll.u32 s25, $0x1;
	[dreg:$0x2] =	wrdreg s0  }
0xa6: {  	[dreg:$0x3] =	wrdreg s2  }
0xa7: {  	[dreg:$0x4] =	wrdreg $0xC0  }
0xa8: {  	_ =	task [dreg:s4], $0x5FFFF  }
0xa9: {  	[dreg:$0x1] =	wrdreg $0xFFFFFFFF  }
0xaa: {  	[dreg:$0x0] =	wrdreg $0x60  }
0xab: {  	[dreg:$0x2] =	wrdreg s22  }
0xac: {  	[dreg:$0x3] =	wrdreg $0x9  }
0xad: {  	_ =	task.clear_ibuf [dreg:s4], $0x4FFFF;
	_ =	strace $0x90000046  }
0xae: {  	s26 =	simm.s32 $0x9;
	_ =	strace $0x80000048  }
0xaf: {  	_ =	swait.ge [sflag:s26], $0x1  }
0xb0: {  	[sflag:s26] =	ssyncadd.s32 $0xFFFFFFFF  }
0xb1: {  	_ =	strace $0x90000048  }
0xb2: {  	_ =	sfence  }
0xb3: {  	s28 =	sld [smem:$0x0];
	_ =	sdelay $0x1  }
0xb4: {  	s29 =	srdreg.scid  }
0xb5: {  	s30 =	sshll.u32 s29, $0xD;
	s31 =	sshrl.u32 s29, $0x2  }
0xb6: {  	s1 =	sand.u32 $0x1, s29;
	s2 =	sand.u32 $0x4000, s30;
	s0 =	sadd.s32 s31, s28  }
0xb7: {  	s1 =	sor.u32 s2, s1;
	s0 =	sshll.u32 s0, $0x11  }
0xb8: {  	s0 =	sor.u32 s0, s1  }
0xb9: {  	s0 =	sadd.s32 $0x8F2B, s0  }
0xba: {  	[sflag:s0] =	ssyncadd.remote.s32 $0x1  }
0xbb: {  	_ =	sfence.sel $0xFFFF  }
0xbc: {  	[dreg:$0x0] =	wrdreg $0xFFFFFFFF;
	(pc) =	sbr.abs _section_cstart, $3  }
0xbd: {  	[dreg:$0x1] =	wrdreg $0xFFFFFFFF  }
0xbe: {  	_ =	task.clear_ibuf [dreg:s4], $0x2FFFF;
	_ =	strace $0x9FFFFFFF  }
0xbf: {  	(tm) =	ssettm $0x7FFFFFFF  }
tec
execute0_lowered:
.L_overlay_start_1:
0x0: {  	(tag) =	ssettag $0x1  }
0x1: {  	s2 =	rddreg [dreg:$0x0]  }
0x2: {  	s0 =	rddreg [dreg:$0x1]  }
0x3: {  	s1 =	stileid.u32;
	_ =	strace $0x80000047;
	s5 =	simm.s32 $0x1  }
0x4: {  	s6 =	simm.s32 $0x500;
	s8 =	simm.s32 $0x1;
	s9 =	simm.s32 $0x3  }
0x5: {  	s10 =	simm.s32 $0x0;
	s13 =	simm.s32 $0x0;
	s4 =	smul.u32 $0x50, s1  }
0x6: {  	s12 =	simm.s32 $0x0;
	s3 =	sadd.s32 $0x50200, s2;
	p0 =	slt.u32 s1, $0xA  }
.Ltmp0:
0x7: {  	s6 =	simm.s32 @!p0 $0x0;
	s7 =	ssub.s32 $0x7D0, s4;
	(pc) =	sbr.rel .LBB2_1-.Ltmp0, $4  }
0x8: {  	s8 =	simm.s32 @!p0 $0x0;
	p0 =	sne.s32 s7, s6;
	s7 =	simm.s32 $0x1  }
0x9: {  	[sflag:s5] =	ssyncpa.u1 $0x0;
	s6 =	simm.s32 $0x2;
	s7 =	simm.s32 @!p0 $0x0  }
0xa: {  	s11 =	smov.u32 s4;
	[sflag:s6] =	ssyncpa.u1 $0x0;
	s7 =	sadd.s32 s8, s7  }
0xb: {  	vm0 =	vmmov $0xffff;
	s8 =	sadd.s32 $0x50000, s2;
	[sflag:s9] =	ssyncpa.u1 $0x0;
	s9 =	sadd.s32 $0x1, s7  }
.LBB2_4:
0xc: {  	v2 =	vnsel vm1, $0x0, v2  }
0xd: {  	vm1 =	vgt.s32 v0, $0x0;
	v2 =	vmin.u32 v2, $0x3FFF  }
0xe: {  	v0 =	vnsel vm1, $0x0, v0  }
0xf: {  	v0 =	vmin.u32 v0, $0x3FFF  }
0x10: {  	[tilespmem:s18], [sflag:$0x1] =	stream.indirect_vreg.gather [hbm4b:s3+s10], $0x1, v1, vm0, $0x4038;
	[tilespmem:$0x140] =	vst v63  }
0x11: {  	(ifvalue) =	ssetifvalue $0x7FFFFFFF  }
0x12: {  	[tilespmem:s15], [sflag:$0x1] =	stream.indirect_vreg.gather [hbm4b:s3+s10], $0x1, v2, vm0, $0x4038;
	[tilespmem:$0x140] =	vst v63  }
0x13: {  	s29 =	sadd.s32 $0x10, s15;
	(ifvalue) =	ssetifvalue $0x7FFFFFFF  }
0x14: {  	[tilespmem:s29], [sflag:$0x1] =	stream.indirect_vreg.gather [hbm4b:s3+s10], $0x1, v0, vm0, $0x4038;
	[tilespmem:$0x140] =	vst v63  }
0x15: {  	_ =	swait.ge [sflag:s5], $0x50  }
0x16: {  	s30 =	sshrl.u32 s13, $0x3;
	[sflag:s5] =	ssyncset.done $0x0  }
0x17: {  	s31 =	sand.u32 $0x7, s13;
	s15 =	sadd.s32 s2, s30;
	[sflag:s5] =	ssyncadd.s32 $0xFFFFFFB0  }
0x18: {  	[hbm4b:s15+s31] =	stream.linear.scatter [tilespmem:s14], [sflag:$0x3], $0x50, $0x38;
	[tilespmem:$0x140] =	vst v63  }
.LBB2_5:
0x19: {  	s15 =	sadd.s32 $0x500, s11  }
0x1a: {  	p1 =	sgt.s32 s15, $0x7CF  }
0x1b: {  	s15 =	smov.u32 @p1 s4;
	p1 =	sne.s32 s12, s9  }
.Ltmp1:
0x1c: {  	p0 =	slt.u32 s12, $0x2;
	(pc) =	sbr.rel @!p1 .LBB2_6-.Ltmp1, $4  }
0x1d: {  	s14 =	simm.s32 @!p0 $0x3  }
0x1e: {  	_ =	swait.ge @!p0 [sflag:s14], $0x50  }
0x1f: {  	s16 =	sadd.s32 $0x1, s12;
	s13 =	smov.u32 s11;
	[sflag:s14] =	ssyncset.done @!p0 $0x0  }
0x20: {  	s12 =	smov.u32 s16;
	s11 =	smov.u32 s15;
	[sflag:s14] =	ssyncadd.s32 @!p0 $0xFFFFFFB0  }
.LBB2_1:
0x21: {  	p0 =	sge.u32 s12, s7  }
0x22: {  	s14 =	sxor.u32 @!p0 $0x1, s12  }
0x23: {  	s14 =	smul.u32 @!p0 $0x140, s14  }
0x24: {  	s31 =	sadd.s32 $0xFFFFFFFF, s12;
	s15 =	sshrl.u32 @!p0 s11, $0x3  }
0x25: {  	s16 =	sand.u32 @!p0 $0x7, s11;
	s15 =	sadd.s32 @!p0 s8, s15;
	s14 =	sshra.s32 @!p0 s14, $0x2  }
0x26: {  	[tilespmem:s14], [sflag:$0x2] =	stream.linear.gather @!p0 [hbm4b:s15+s16], $0x50, $0x38;
	[tilespmem:$0x140] =	vst v63  }
0x27: {  	p0 =	sge.u32 s31, s7  }
.Ltmp2:
0x28: {  	_ = 	snop;
	(pc) =	sbr.rel @p0 .LBB2_5-.Ltmp2, $1  }
0x29: {  	_ =	sdelay $0x3  }
0x2a: {  	s14 =	sand.u32 $0x1, s12  }
0x2b: {  	_ =	swait.ge [sflag:s6], $0x50;
	p0 =	seq.s32 s14, $0x1;
	s14 =	simm.s32 $0x50  }
0x2c: {  	[sflag:s6] =	ssyncset.done $0x0;
	s14 =	simm.s32 @!p0 $0x0  }
0x2d: {  	[sflag:s6] =	ssyncadd.s32 $0xFFFFFFB0;
	(ifvalue) =	ssetifvalue $0x7FFFFFFF;
	v0 =	vld.msk [tilespmem:s14+$0x0 ss:$0x1], $0xffff;
	_ =	sdelay $0x4  }
0x2e: {  	s15 =	sadd.s32 $0x10, s14;
	vm1 =	vgt.s32 v0, $0x0  }
0x2f: {  	v2 =	vld.msk [tilespmem:s15+$0x0 ss:$0x1], $0xffff;
	v1 =	vnsel vm1, $0x0, v0  }
0x30: {  	v1 =	vmin.u32 v1, $0x3FFF;
	_ =	sdelay $0x2  }
0x31: {  	s17 =	simm.s32 $0x20;
	s14 =	sor.u32 $0xA0, s14;
	s16 =	sadd.s32 $0x10, s15  }
0x32: {  	s15 =	sadd.s32 $0x10, s14;
	s18 =	smov.u32 s14;
	v0 =	vld.msk [tilespmem:s16+$0x0 ss:$0x1], $0xffff;
	vm1 =	vgt.s32 v2, $0x0;
	(ifvalue) =	ssetifvalue $0x7FFFFFFF  }
.LBB2_3:
0x33: {  	[tilespmem:s18], [sflag:$0x1] =	stream.indirect_vreg.gather [hbm4b:s3+s10], $0x1, v1, vm0, $0x4038;
	[tilespmem:$0x140] =	vst v63  }
0x34: {  	s17 =	sadd.s32 $0x10, s17  }
0x35: {  	v2 =	vnsel vm1, $0x0, v2;
	p0 =	slt.u32 s17, $0x40  }
.Ltmp3:
0x36: {  	s18 =	smov.u32 s15;
	v1 =	vmin.u32 v2, $0x3FFF;
	(pc) =	sbr.rel @p0 .LBB2_3-.Ltmp3, $3  }
0x37: {  	_ =	sdelay $0x1  }
0x38: {  	s16 =	sadd.s32 $0x10, s16  }
0x39: {  	vm1 =	vgt.s32 v0, $0x0;
	s15 =	sadd.s32 $0x10, s15;
	v2 =	vmov v0;
	(ifvalue) =	ssetifvalue $0x7FFFFFFF;
	v0 =	vld.msk [tilespmem:s16+$0x0 ss:$0x1], $0xffff  }
.Ltmp4:
0x3a: {  	_ = 	snop;
	(pc) =	sbr.rel .LBB2_4-.Ltmp4, $1  }
0x3b: {  	_ =	sdelay $0x3  }
.LBB2_6:
0x3c: {  	_ =	sfence.sel $0x180000  }
0x3d: {  	s2 =	simm.s32 $0x2;
	[bflag:$0x0] =	sbarrier.arrive $0xFFFF  }
0x3e: {  	s30 =	simm.s32 $0x3;
	[sflag:s2] =	ssyncpa.u1 $0x1  }
0x3f: {  	s31 =	simm.s32 $0x1;
	[sflag:s30] =	ssyncpa.u1 $0x1  }
0x40: {  	[sflag:s31] =	ssyncpa.u1 $0x1  }
0x41: {  	p0 =	sne.s32 s1, $0x0;
	_ =	strace $0x90000047  }
0x42: {  	s0 =	sadd.s32 @!p0 $0x100000, s0;
	[bflag:$0x2] =	sbarrier.arrive $0xFFFF  }
0x43: {  	[sflag:s0] =	ssyncadd.tile.s32 @!p0 $0x1;
	_ =	shalt  }
.Lfunc_end2:
_tile_overlayer_lowered:
.L_overlay_start_2:
0x44: {  	(tag) =	ssettag $0x2  }
0x45: {  	s0 =	rddreg [dreg:$0x0];
	s2 =	stileid.u32  }
0x46: {  	s1 =	rddreg [dreg:$0x1];
	p0 =	sne.s32 s2, $0x0  }
0x47: {  	s3 =	rddreg [dreg:$0x2];
	[bflag:$0x3] =	sbarrier.arrive $0xFFFF;
	s2 =	simm.s32 @!p0 $0x1C01  }
0x48: {  	[timem:s3], [sflag:s2] =	dma.local @!p0 [hbm:s0], s1  }
0x49: {  	s0 =	simm.s32 @!p0 $0x1  }
0x4a: {  	_ =	swait.ge @!p0 [sflag:s0], s1  }
0x4b: {  	s1 =	ssub.s32 @!p0 $0x0, s1;
	[sflag:s0] =	ssyncset.done @!p0 $0x0  }
0x4c: {  	[sflag:s0] =	ssyncadd.s32 @!p0 s1  }
0x4d: {  	[bflag:$0x3] =	sbarrier.arrive $0xFFFF  }
0x4e: {  	_ =	shalt  }

// kernel: gather_offload_async_start.2
scs
__scs_entry_jumppad:
0x0: {  	(pc) =	sbr.rel $0x88, $3  }
0x1: {  	(tag) =	ssettag $0x0;
	lr =	simm.s32 $0x1  }
0x2: {  	[smem:$0x3F9C] =	sst lr;
	_ =	strace $0xD0000000  }
0x3: {  	_ = 	snop  }
0x4: {  	_ = 	snop  }
0x5: {  	_ = 	snop  }
0x6: {  	_ = 	snop  }
0x7: {  	_ = 	snop  }
__scs_overlays_trampoline_lowered:
0x8: {  	[smem:$0x3FAB] =	sst s0  }
0x9: {  	[smem:$0x3FAC] =	sst s1  }
0xa: {  	[smem:$0x3FAD] =	sst s2  }
0xb: {  	[smem:$0x3FAE] =	sst s3  }
0xc: {  	[smem:$0x3FAF] =	sst s4  }
0xd: {  	[smem:$0x3FB0] =	sst s5  }
0xe: {  	[smem:$0x3FB1] =	sst s6  }
0xf: {  	[smem:$0x3FB2] =	sst s7  }
0x10: {  	[smem:$0x3FB3] =	sst s8  }
0x11: {  	[smem:$0x3FB4] =	sst s9;
	s0 =	simm.s32 @!p0 $0x0  }
0x12: {  	s1 =	sld [smem:$0x3F9A];
	s0 =	simm.s32 @p0 $0x1  }
0x13: {  	[smem:$0x3FB5] =	sst s0;
	s0 =	simm.s32 @!p1 $0x0  }
0x14: {  	s2 =	sld [smem:$0x3F99];
	s0 =	simm.s32 @p1 $0x1  }
0x15: {  	[smem:$0x3FB6] =	sst s0;
	s0 =	simm.s32 @!p2 $0x0  }
0x16: {  	s3 =	sld [smem:$0x3FDB];
	s0 =	simm.s32 @p2 $0x1  }
0x17: {  	s4 =	simm.s32 $0x1BF5;
	[smem:$0x3FB8] =	sst s0  }
0x18: {  	s0 =	sld [smem:$0x3F9B];
	_ =	swait.ge [sflag:s4], $0x0  }
0x19: {  	s7 =	sld [smem:$0x3F9C]  }
0x1a: {  	s8 =	sadd.s32 $0xFFFFE003, lr  }
0x1b: {  	s9 =	sadd.s32 $0xFFFFFEF7, lr;
	s5 =	simm.s32 $0xFFFFFFFF;
	p2 =	slt.u32 s8, $0xFFFFF086  }
0x1c: {  	p1 =	slt.u32 s9, $0xF7A;
	s5 =	simm.s32 @!p2 $0x0  }
0x1d: {  	s5 =	simm.s32 @p1 $0x1;
	p0 =	seq.s32 s7, s2  }
0x1e: {  	s7 =	smul.u32 @!p0 $0xF7A, s2;
	p2 =	seq.s32 @!p0 s5, $0x0  }
0x1f: {  	s9 =	smul.u32 $0xF7A, s1;
	s8 =	simm.s32 @!p0 $0x1BF5;
	p2 =	por !p2, p0  }
0x20: {  	[sflag:s8] =	ssyncset.s32 @!p0 $0xFFFFF086;
	s6 =	sadd.s32 @!p0 s3, s7;
	s7 =	simm.s32 @!p0 $0x108  }
0x21: {  	s3 =	sadd.s32 s3, s9;
	s6 =	sadd.s32 @!p0 $0x88, s6;
	s7 =	simm.s32 @p2 $0x1082  }
0x22: {  	[simem:s7], [sflag:s8] =	dma.local @!p0 [hbm:s6], $0xF7A  }
0x23: {  	s9 =	sor.u32 $0xD0000000, s2;
	s6 =	simm.s32 $0x108;
	_ =	swait.ge @!p0 [sflag:s8], $0x0  }
0x24: {  	s3 =	sadd.s32 $0x88, s3;
	s6 =	simm.s32 @!p1 $0x1082;
	[sflag:s4] =	ssyncset.s32 $0xFFFFF086  }
0x25: {  	[simem:s6], [sflag:s4] =	dma.local [hbm:s3], $0xF7A  }
0x26: {  	[smem:$0x3F9C] =	sst s1;
	(tag) =	ssettag s2;
	_ =	strace s9  }
0x27: {  	s1 =	sld [smem:$0x3FAC]  }
0x28: {  	s2 =	sld [smem:$0x3FAD]  }
0x29: {  	s4 =	sld [smem:$0x3FAF]  }
0x2a: {  	p0 =	seq.s32 s5, $0x0;
	s5 =	sld [smem:$0x3FB0]  }
0x2b: {  	s6 =	sld [smem:$0x3FB1]  }
0x2c: {  	s7 =	sld [smem:$0x3FB2]  }
0x2d: {  	s3 =	simm.s32 $0x108;
	s8 =	sld [smem:$0x3FB3]  }
0x2e: {  	s3 =	simm.s32 @!p0 $0x1082;
	s9 =	sld [smem:$0x3FB4]  }
0x2f: {  	lr =	sadd.s32 s0, s3;
	s0 =	sld [smem:$0x3FAB]  }
0x30: {  	s3 =	sld [smem:$0x3FAE]  }
0x31: {  	[smem:$0x3FB7] =	sst s10  }
0x32: {  	s10 =	sld [smem:$0x3FB5];
	_ =	sdelay $0x3  }
0x33: {  	p0 =	seq.s32 s10, $0x1;
	s10 =	sld [smem:$0x3FB7];
	_ =	sdelay $0x3  }
0x34: {  	[smem:$0x3FB7] =	sst s10  }
0x35: {  	s10 =	sld [smem:$0x3FB6];
	_ =	sdelay $0x3  }
0x36: {  	p1 =	seq.s32 s10, $0x1;
	s10 =	sld [smem:$0x3FB7];
	_ =	sdelay $0x3  }
0x37: {  	[smem:$0x3FB7] =	sst s10  }
0x38: {  	s10 =	sld [smem:$0x3FB8]  }
0x39: {  	_ = 	snop;
	(pc) =	sbr.ind lr, $3  }
0x3a: {  	_ = 	snop  }
0x3b: {  	_ = 	snop  }
0x3c: {  	p2 =	seq.s32 s10, $0x1;
	s10 =	sld [smem:$0x3FB7]  }
0x3d: {  	_ =	shalt  }
0x3e: {  	_ =	shalt  }
0x3f: {  	_ =	shalt  }
0x40: {  	_ =	shalt  }
0x41: {  	_ =	shalt  }
0x42: {  	_ =	shalt  }
0x43: {  	_ =	shalt  }
0x44: {  	_ =	shalt  }
0x45: {  	_ =	shalt  }
0x46: {  	_ =	shalt  }
0x47: {  	_ =	shalt  }
0x48: {  	_ =	shalt  }
0x49: {  	_ =	shalt  }
0x4a: {  	_ =	shalt  }
0x4b: {  	_ =	shalt  }
0x4c: {  	_ =	shalt  }
0x4d: {  	_ =	shalt  }
0x4e: {  	_ =	shalt  }
0x4f: {  	_ =	shalt  }
0x50: {  	_ =	shalt  }
0x51: {  	_ =	shalt  }
0x52: {  	_ =	shalt  }
0x53: {  	_ =	shalt  }
0x54: {  	_ =	shalt  }
0x55: {  	_ =	shalt  }
0x56: {  	_ =	shalt  }
0x57: {  	_ =	shalt  }
0x58: {  	_ =	shalt  }
0x59: {  	_ =	shalt  }
0x5a: {  	_ =	shalt  }
0x5b: {  	_ =	shalt  }
0x5c: {  	_ =	shalt  }
0x5d: {  	_ =	shalt  }
0x5e: {  	_ =	shalt  }
0x5f: {  	_ =	shalt  }
0x60: {  	_ =	shalt  }
0x61: {  	_ =	shalt  }
0x62: {  	_ =	shalt  }
0x63: {  	_ =	shalt  }
0x64: {  	_ =	shalt  }
0x65: {  	_ =	shalt  }
0x66: {  	_ =	shalt  }
0x67: {  	_ =	shalt  }
0x68: {  	_ =	shalt  }
0x69: {  	_ =	shalt  }
0x6a: {  	_ =	shalt  }
0x6b: {  	_ =	shalt  }
0x6c: {  	_ =	shalt  }
0x6d: {  	_ =	shalt  }
0x6e: {  	_ =	shalt  }
0x6f: {  	_ =	shalt  }
0x70: {  	_ =	shalt  }
0x71: {  	_ =	shalt  }
0x72: {  	_ =	shalt  }
0x73: {  	_ =	shalt  }
0x74: {  	_ =	shalt  }
0x75: {  	_ =	shalt  }
0x76: {  	_ =	shalt  }
0x77: {  	_ =	shalt  }
0x78: {  	_ =	shalt  }
0x79: {  	_ =	shalt  }
0x7a: {  	_ =	shalt  }
0x7b: {  	_ =	shalt  }
0x7c: {  	_ =	shalt  }
0x7d: {  	_ =	shalt  }
0x7e: {  	_ =	shalt  }
0x7f: {  	_ =	shalt  }
0x80: {  	_ =	shalt  }
0x81: {  	_ =	shalt  }
0x82: {  	_ =	shalt  }
0x83: {  	_ =	shalt  }
0x84: {  	_ =	shalt  }
0x85: {  	_ =	shalt  }
0x86: {  	_ =	shalt  }
0x87: {  	_ =	shalt  }
.Lfunc_end0:
.L_simem_size_0:
called_computation.2_lowered:
.L_overlay_start_0:
0x88: {  	s0 =	sld [smem:$0x3FD9]  }
0x89: {  	s1 =	sld [smem:$0x3FFE];
	_ =	sdelay $0x3  }
0x8a: {  	s0 =	sadd.s32 s1, s0  }
0x8b: {  	[smem:$0x3FC3] =	sst s0  }
0x8c: {  	_ = 	snop  }
0x8d: {  	(tm) =	ssettm $0x1  }
0x8e: {  	s15 =	sld [smem:$0x3FFB];
	_ =	sdelay $0x3  }
0x8f: {  	_ =	strace s15  }
0x90: {  	s0 =	sld [smem:$0x3FFC];
	_ =	sdelay $0x3  }
0x91: {  	_ =	strace s0  }
0x92: {  	s0 =	sld [smem:$0x3FFD];
	_ =	sdelay $0x3  }
0x93: {  	_ =	strace s0  }
0x94: {  	_ =	strace $0x8FFFFFFF  }
0x95: {  	s16 =	sld [smem:$0x3FDB];
	_ =	sdelay $0x1  }
0x96: {  	s17 =	simm.s32 $_scs_section_size  }
0x97: {  	s2 =	simm.s32 $_size__tile_overlayer_lowered;
	s3 =	simm.s32 $_tile_overlayer_lowered  }
0x98: {  	s20 =	simm.s32 $0x1BFF;
	s19 =	sshll.u32 s3, $0x1;
	s0 =	sadd.s32 s17, s16  }
0x99: {  	s4 =	simm.s32 $0x0;
	s18 =	sshll.u32 s2, $0x1;
	s2 =	sadd.s32 s19, s0  }
0x9a: {  	[timem:s4], [sflag:s20] =	dma.local [hbm:s2], s18  }
0x9b: {  	_ =	swait.ge [sflag:s20], s18  }
0x9c: {  	s1 =	ssub.s32 $0x0, s18;
	[sflag:s20] =	ssyncset.done $0x0  }
0x9d: {  	[sflag:s20] =	ssyncadd.s32 s1;
	_ =	sdelay $0x1  }
0x9e: {  	s21 =	simm.s32 $0x1B8B  }
0x9f: {  	_ =	swait.ge [sflag:s21], $0x1  }
0xa0: {  	[sflag:s21] =	ssyncset.done $0x0  }
0xa1: {  	s23 =	simm.s32 $0x1B8E;
	s22 =	sld [smem:$0x3FFE];
	[sflag:s21] =	ssyncadd.s32 $0xFFFFFFFF  }
0xa2: {  	s24 =	simm.s32 $execute0_lowered;
	[smem:$0x3FD2] =	sst s23  }
0xa3: {  	s2 =	sshll.u32 s24, $0x1;
	_ =	strace $0x8000004C;
	[dreg:$0x1] =	wrdreg $0xFFFFFFFF  }
0xa4: {  	s25 =	simm.s32 $_size_execute0_lowered;
	s0 =	sadd.s32 s0, s2;
	[dreg:$0x0] =	wrdreg $0x0  }
0xa5: {  	s2 =	sshll.u32 s25, $0x1;
	[dreg:$0x2] =	wrdreg s0  }
0xa6: {  	[dreg:$0x3] =	wrdreg s2  }
0xa7: {  	[dreg:$0x4] =	wrdreg $0xC0  }
0xa8: {  	_ =	task [dreg:s4], $0x5FFFF  }
0xa9: {  	[dreg:$0x1] =	wrdreg $0xFFFFFFFF  }
0xaa: {  	[dreg:$0x0] =	wrdreg $0x60  }
0xab: {  	[dreg:$0x2] =	wrdreg s22  }
0xac: {  	[dreg:$0x3] =	wrdreg $0x9  }
0xad: {  	_ =	task.clear_ibuf [dreg:s4], $0x4FFFF;
	_ =	strace $0x9000004C  }
0xae: {  	s26 =	simm.s32 $0x9;
	_ =	strace $0x8000004E  }
0xaf: {  	_ =	swait.ge [sflag:s26], $0x1  }
0xb0: {  	[sflag:s26] =	ssyncadd.s32 $0xFFFFFFFF  }
0xb1: {  	_ =	strace $0x9000004E  }
0xb2: {  	_ =	sfence  }
0xb3: {  	s28 =	sld [smem:$0x0];
	_ =	sdelay $0x1  }
0xb4: {  	s29 =	srdreg.scid  }
0xb5: {  	s30 =	sshll.u32 s29, $0xD;
	s31 =	sshrl.u32 s29, $0x2  }
0xb6: {  	s1 =	sand.u32 $0x1, s29;
	s2 =	sand.u32 $0x4000, s30;
	s0 =	sadd.s32 s31, s28  }
0xb7: {  	s1 =	sor.u32 s2, s1;
	s0 =	sshll.u32 s0, $0x11  }
0xb8: {  	s0 =	sor.u32 s0, s1  }
0xb9: {  	s0 =	sadd.s32 $0x8F2B, s0  }
0xba: {  	[sflag:s0] =	ssyncadd.remote.s32 $0x1  }
0xbb: {  	_ =	sfence.sel $0xFFFF  }
0xbc: {  	[dreg:$0x0] =	wrdreg $0xFFFFFFFF;
	(pc) =	sbr.abs _section_cstart, $3  }
0xbd: {  	[dreg:$0x1] =	wrdreg $0xFFFFFFFF  }
0xbe: {  	_ =	task.clear_ibuf [dreg:s4], $0x2FFFF;
	_ =	strace $0x9FFFFFFF  }
0xbf: {  	(tm) =	ssettm $0x7FFFFFFF  }
tec
execute0_lowered:
.L_overlay_start_1:
0x0: {  	(tag) =	ssettag $0x1  }
0x1: {  	s0 =	stileid.u32  }
0x2: {  	s1 =	smin.u32 s0, $0x9  }
0x3: {  	s1 =	sadd.s32 s0, s1  }
0x4: {  	p0 =	slt.u32 s0, $0x9;
	s2 =	smul.u32 $0x50, s1;
	s1 =	simm.s32 $0xA0  }
0x5: {  	s1 =	simm.s32 @!p0 $0x50  }
0x6: {  	s1 =	sadd.s32 s1, s2  }
0x7: {  	s3 =	smin.u32 s1, $0x7D0  }
0x8: {  	s7 =	ssub.s32 s3, s2  }
0x9: {  	p0 =	sgt.s32 s7, $0x0  }
0xa: {  	s7 =	simm.s32 @!p0 $0x0  }
0xb: {  	s31 =	smul.u32 $0xCCCD, s7  }
0xc: {  	s4 =	rddreg [dreg:$0x0];
	s6 =	simm.s32 $0x1  }
0xd: {  	s10 =	simm.s32 $0x3;
	s13 =	simm.s32 $0x0;
	s8 =	sshrl.u32 s31, $0x16  }
0xe: {  	s12 =	simm.s32 $0x0;
	s5 =	sadd.s32 $0x51400, s4;
	s9 =	smul.u32 $0x50, s8  }
.Ltmp0:
0xf: {  	s11 =	smov.u32 s2;
	s1 =	rddreg [dreg:$0x1];
	(pc) =	sbr.rel .LBB2_1-.Ltmp0, $4  }
0x10: {  	_ =	strace $0x8000004D;
	p0 =	sne.s32 s7, s9;
	s9 =	simm.s32 $0x1  }
0x11: {  	[sflag:s6] =	ssyncpa.u1 $0x0;
	s7 =	simm.s32 $0x2;
	s9 =	simm.s32 @!p0 $0x0  }
0x12: {  	[sflag:s7] =	ssyncpa.u1 $0x0;
	p0 =	por $0x0, $0x0;
	s8 =	sadd.s32 s8, s9  }
0x13: {  	vm0 =	vmmov $0xff;
	vm1 =	vcmask $0x3F20;
	s9 =	sadd.s32 $0x51200, s4;
	[sflag:s10] =	ssyncpa.u1 $0x0;
	s10 =	sadd.s32 $0x1, s8  }
.LBB2_6:
0x14: {  	[hbm:s17] =	stream.linear.scatter [tilespmem:s14], [sflag:$0x3], $0x400, $0x38;
	[tilespmem:$0x50A0] =	vst v63  }
.LBB2_7:
0x15: {  	s13 =	sadd.s32 $0x50, s11  }
0x16: {  	s15 =	smov.u32 s2;
	p2 =	slt.s32 s13, s3  }
0x17: {  	s15 =	smov.u32 @p2 s13;
	p2 =	sne.s32 s12, s10  }
.Ltmp1:
0x18: {  	p1 =	slt.u32 s12, $0x2;
	(pc) =	sbr.rel @!p2 .LBB2_8-.Ltmp1, $4  }
0x19: {  	s14 =	simm.s32 @!p1 $0x3  }
0x1a: {  	s16 =	sadd.s32 $0x1, s12;
	_ =	swait.ge @!p1 [sflag:s14], $0x2800  }
0x1b: {  	p0 =	por !p0, !p0;
	s13 =	smov.u32 s11;
	[sflag:s14] =	ssyncset.done @!p1 $0x0  }
0x1c: {  	s12 =	smov.u32 s16;
	s11 =	smov.u32 s15;
	[sflag:s14] =	ssyncadd.s32 @!p1 $0xFFFFD800  }
.LBB2_1:
0x1d: {  	p1 =	sge.u32 s12, s8  }
0x1e: {  	s14 =	sxor.u32 @!p1 $0xFFFFFFFF, s12  }
0x1f: {  	s14 =	sand.u32 @!p1 $0x1, s14  }
0x20: {  	s14 =	smul.u32 @!p1 $0x140, s14  }
0x21: {  	s31 =	sadd.s32 $0xFFFFFFFF, s12;
	s15 =	sshrl.u32 @!p1 s11, $0x3  }
0x22: {  	s16 =	sand.u32 @!p1 $0x7, s11;
	s15 =	sadd.s32 @!p1 s9, s15;
	s14 =	sshrl.u32 @!p1 s14, $0x2  }
0x23: {  	[tilespmem:s14], [sflag:$0x2] =	stream.linear.gather @!p1 [hbm4b:s15+s16], $0x50, $0x38;
	[tilespmem:$0x50A0] =	vst v63  }
0x24: {  	p1 =	sge.u32 s31, s8  }
.Ltmp2:
0x25: {  	_ = 	snop;
	(pc) =	sbr.rel @p1 .LBB2_7-.Ltmp2, $1  }
0x26: {  	_ =	sdelay $0x3  }
0x27: {  	s14 =	simm.s32 $0x1  }
0x28: {  	s14 =	simm.s32 @!p0 $0x0  }
0x29: {  	s15 =	smul.u32 $0x140, s14  }
0x2a: {  	_ =	swait.ge [sflag:s7], $0x50  }
0x2b: {  	[sflag:s7] =	ssyncset.done $0x0;
	s16 =	sshrl.u32 s15, $0x2  }
0x2c: {  	[sflag:s7] =	ssyncadd.s32 $0xFFFFFFB0;
	s15 =	sadd.s32 $0x0, s16  }
0x2d: {  	v0 =	vld.msk [tilespmem:s15+$0x0 ss:$0x1], $0xffff;
	_ =	sdelay $0x4  }
0x2e: {  	v1 =	vshll.u32 v0, $0x6  }
0x2f: {  	vm2 =	veq.s32 v0, $0x80000000;
	v0 =	vshll.u32 v0, $0x15;
	v1 =	vand.u32 $0x1FFF80, v1  }
0x30: {  	v0 =	vand.u32 $0x200000, v0;
	v1 =	vsel vm2, $0xFFFFFF80, v1  }
0x31: {  	v0 =	vsel vm2, $0xFFE00000, v0;
	v2 =	vand.u32 $0xFFFFFC00, v1  }
0x32: {  	v1 =	vand.u32 $0x380, v1;
	v0 =	vadd.s32 v0, v2  }
0x33: {  	v0 =	vor.u32 v1, v0  }
0x34: {  	v0 =	vshrl.u32 v0, $0x3  }
0x35: {  	s14 =	smul.u32 $0xA000, s14;
	_ =	sdelay $0x1  }
0x36: {  	s14 =	sshrl.u32 s14, $0x2  }
0x37: {  	s14 =	sor.u32 $0xA0, s14  }
0x38: {  	[tilespmem:s14], [sflag:$0x1] =	stream.indirect_vreg.gather [hbm:s5], $0x80, v0, vm0, $0x38;
	[tilespmem:$0x50A0] =	vst v63  }
0x39: {  	s17 =	sadd.s32 $0x10, s16;
	s15 =	sadd.s32 $0x400, s14  }
0x3a: {  	[tilespmem:s15], [sflag:$0x1] =	stream.indirect_vreg.gather [hbm:s5], $0x80, v0, vm1, $0x38;
	[tilespmem:$0x50A0] =	vst v63  }
0x3b: {  	s18 =	simm.s32 $0x80;
	v0 =	vld.msk [tilespmem:s17+$0x0 ss:$0x1], $0xffff;
	s17 =	smov.u32 s14  }
.LBB2_3:
0x3c: {  	p1 =	sne.s32 s18, $0x100;
	_ =	sdelay $0x4  }
0x3d: {  	v1 =	vshll.u32 v0, $0x6  }
0x3e: {  	vm2 =	veq.s32 v0, $0x80000000;
	v0 =	vshll.u32 v0, $0x15;
	v1 =	vand.u32 $0x1FFF80, v1  }
0x3f: {  	v0 =	vand.u32 $0x200000, v0;
	v1 =	vsel vm2, $0xFFFFFF80, v1  }
0x40: {  	v0 =	vsel vm2, $0xFFE00000, v0;
	v2 =	vand.u32 $0xFFFFFC00, v1  }
0x41: {  	v1 =	vand.u32 $0x380, v1;
	v0 =	vadd.s32 v0, v2  }
0x42: {  	v0 =	vor.u32 v1, v0  }
0x43: {  	v0 =	vshrl.u32 v0, $0x3;
	_ =	sdelay $0x3  }
.Ltmp3:
0x44: {  	s19 =	sshra.s32 s18, $0x2;
	s17 =	sadd.s32 $0x800, s17;
	(pc) =	sbr.rel @p1 .LBB2_3-.Ltmp3, $4  }
0x45: {  	[tilespmem:s17], [sflag:$0x1] =	stream.indirect_vreg.gather [hbm:s5], $0x80, v0, vm0, $0x38;
	[tilespmem:$0x50A0] =	vst v63  }
0x46: {  	s19 =	sadd.s32 s19, s16;
	s20 =	sadd.s32 $0x400, s17  }
0x47: {  	[tilespmem:s20], [sflag:$0x1] =	stream.indirect_vreg.gather [hbm:s5], $0x80, v0, vm1, $0x38;
	[tilespmem:$0x50A0] =	vst v63  }
0x48: {  	s18 =	sadd.s32 $0x40, s18;
	v0 =	vld.msk [tilespmem:s19+$0x0 ss:$0x1], $0xffff  }
0x49: {  	_ =	sdelay $0x3  }
0x4a: {  	v1 =	vshll.u32 v0, $0x6  }
0x4b: {  	vm2 =	veq.s32 v0, $0x80000000;
	v63 =	vshll.u32 v0, $0x15;
	v1 =	vand.u32 $0x1FFF80, v1  }
0x4c: {  	v0 =	vand.u32 $0x200000, v63;
	v1 =	vsel vm2, $0xFFFFFF80, v1  }
0x4d: {  	v0 =	vsel vm2, $0xFFE00000, v0;
	v2 =	vand.u32 $0xFFFFFC00, v1  }
0x4e: {  	v1 =	vand.u32 $0x380, v1;
	v0 =	vadd.s32 v0, v2  }
0x4f: {  	v0 =	vor.u32 v1, v0  }
0x50: {  	v0 =	vshrl.u32 v0, $0x3;
	_ =	sdelay $0x3  }
0x51: {  	s16 =	sadd.s32 $0x800, s17  }
0x52: {  	[tilespmem:s16], [sflag:$0x1] =	stream.indirect_vreg.gather [hbm:s5], $0x80, v0, vm0, $0x38;
	[tilespmem:$0x50A0] =	vst v63  }
0x53: {  	s16 =	sadd.s32 $0x400, s16  }
0x54: {  	[tilespmem:s16], [sflag:$0x1] =	stream.indirect_vreg.gather [hbm:s5], $0x80, v0, vm1, $0x38;
	[tilespmem:$0x50A0] =	vst v63  }
0x55: {  	s13 =	sshll.u32 s13, $0x4;
	_ =	swait.ge [sflag:s6], $0x2800  }
0x56: {  	s13 =	sadd.s32 s13, s4;
	[sflag:s6] =	ssyncset.done $0x0  }
0x57: {  	s17 =	sadd.s32 $0x0, s13;
	s16 =	simm.s32 $0x80;
	[sflag:s6] =	ssyncadd.s32 $0xFFFFD800  }
.LBB2_5:
0x58: {  	[hbm:s17] =	stream.linear.scatter [tilespmem:s14], [sflag:$0x3], $0x400, $0x38;
	[tilespmem:$0x50A0] =	vst v63  }
0x59: {  	s17 =	smov.u32 s16;
	s14 =	smov.u32 s15;
	p1 =	sne.s32 s16, $0x480  }
.Ltmp4:
0x5a: {  	s16 =	sadd.s32 $0x80, s16;
	(pc) =	sbr.rel @p1 .LBB2_5-.Ltmp4, $2  }
0x5b: {  	_ =	sdelay $0x2  }
0x5c: {  	s15 =	sadd.s32 $0x400, s15;
	s17 =	sadd.s32 s17, s13  }
.Ltmp5:
0x5d: {  	_ = 	snop;
	(pc) =	sbr.rel .LBB2_6-.Ltmp5, $1  }
0x5e: {  	_ =	sdelay $0x3  }
.LBB2_8:
0x5f: {  	_ =	sfence.sel $0x180000  }
0x60: {  	s2 =	simm.s32 $0x2;
	[bflag:$0x0] =	sbarrier.arrive $0xFFFF  }
0x61: {  	s30 =	simm.s32 $0x3;
	[sflag:s2] =	ssyncpa.u1 $0x1  }
0x62: {  	s31 =	simm.s32 $0x1;
	[sflag:s30] =	ssyncpa.u1 $0x1  }
0x63: {  	[sflag:s31] =	ssyncpa.u1 $0x1  }
0x64: {  	p0 =	sne.s32 s0, $0x0;
	_ =	strace $0x9000004D  }
0x65: {  	s0 =	sadd.s32 @!p0 $0x100000, s1;
	[bflag:$0x2] =	sbarrier.arrive $0xFFFF  }
0x66: {  	[sflag:s0] =	ssyncadd.tile.s32 @!p0 $0x1;
	_ =	shalt  }
.Lfunc_end2:
_tile_overlayer_lowered:
.L_overlay_start_2:
0x67: {  	(tag) =	ssettag $0x2  }
0x68: {  	s0 =	rddreg [dreg:$0x0];
	s2 =	stileid.u32  }
0x69: {  	s1 =	rddreg [dreg:$0x1];
	p0 =	sne.s32 s2, $0x0  }
0x6a: {  	s3 =	rddreg [dreg:$0x2];
	[bflag:$0x3] =	sbarrier.arrive $0xFFFF;
	s2 =	simm.s32 @!p0 $0x1C01  }
0x6b: {  	[timem:s3], [sflag:s2] =	dma.local @!p0 [hbm:s0], s1  }
0x6c: {  	s0 =	simm.s32 @!p0 $0x1  }
0x6d: {  	_ =	swait.ge @!p0 [sflag:s0], s1  }
0x6e: {  	s1 =	ssub.s32 @!p0 $0x0, s1;
	[sflag:s0] =	ssyncset.done @!p0 $0x0  }
0x6f: {  	[sflag:s0] =	ssyncadd.s32 @!p0 s1  }
0x70: {  	[bflag:$0x3] =	sbarrier.arrive $0xFFFF  }
0x71: {  	_ =	shalt  }

// kernel: gather_offload_async_start
scs
__scs_entry_jumppad:
0x0: {  	(pc) =	sbr.rel $0x88, $3  }
0x1: {  	(tag) =	ssettag $0x0;
	lr =	simm.s32 $0x1  }
0x2: {  	[smem:$0x3F9C] =	sst lr;
	_ =	strace $0xD0000000  }
0x3: {  	_ = 	snop  }
0x4: {  	_ = 	snop  }
0x5: {  	_ = 	snop  }
0x6: {  	_ = 	snop  }
0x7: {  	_ = 	snop  }
__scs_overlays_trampoline_lowered:
0x8: {  	[smem:$0x3FAB] =	sst s0  }
0x9: {  	[smem:$0x3FAC] =	sst s1  }
0xa: {  	[smem:$0x3FAD] =	sst s2  }
0xb: {  	[smem:$0x3FAE] =	sst s3  }
0xc: {  	[smem:$0x3FAF] =	sst s4  }
0xd: {  	[smem:$0x3FB0] =	sst s5  }
0xe: {  	[smem:$0x3FB1] =	sst s6  }
0xf: {  	[smem:$0x3FB2] =	sst s7  }
0x10: {  	[smem:$0x3FB3] =	sst s8  }
0x11: {  	[smem:$0x3FB4] =	sst s9;
	s0 =	simm.s32 @!p0 $0x0  }
0x12: {  	s1 =	sld [smem:$0x3F9A];
	s0 =	simm.s32 @p0 $0x1  }
0x13: {  	[smem:$0x3FB5] =	sst s0;
	s0 =	simm.s32 @!p1 $0x0  }
0x14: {  	s2 =	sld [smem:$0x3F99];
	s0 =	simm.s32 @p1 $0x1  }
0x15: {  	[smem:$0x3FB6] =	sst s0;
	s0 =	simm.s32 @!p2 $0x0  }
0x16: {  	s3 =	sld [smem:$0x3FDB];
	s0 =	simm.s32 @p2 $0x1  }
0x17: {  	s4 =	simm.s32 $0x1BF5;
	[smem:$0x3FB8] =	sst s0  }
0x18: {  	s0 =	sld [smem:$0x3F9B];
	_ =	swait.ge [sflag:s4], $0x0  }
0x19: {  	s7 =	sld [smem:$0x3F9C]  }
0x1a: {  	s8 =	sadd.s32 $0xFFFFE003, lr  }
0x1b: {  	s9 =	sadd.s32 $0xFFFFFEF7, lr;
	s5 =	simm.s32 $0xFFFFFFFF;
	p2 =	slt.u32 s8, $0xFFFFF086  }
0x1c: {  	p1 =	slt.u32 s9, $0xF7A;
	s5 =	simm.s32 @!p2 $0x0  }
0x1d: {  	s5 =	simm.s32 @p1 $0x1;
	p0 =	seq.s32 s7, s2  }
0x1e: {  	s7 =	smul.u32 @!p0 $0xF7A, s2;
	p2 =	seq.s32 @!p0 s5, $0x0  }
0x1f: {  	s9 =	smul.u32 $0xF7A, s1;
	s8 =	simm.s32 @!p0 $0x1BF5;
	p2 =	por !p2, p0  }
0x20: {  	[sflag:s8] =	ssyncset.s32 @!p0 $0xFFFFF086;
	s6 =	sadd.s32 @!p0 s3, s7;
	s7 =	simm.s32 @!p0 $0x108  }
0x21: {  	s3 =	sadd.s32 s3, s9;
	s6 =	sadd.s32 @!p0 $0x88, s6;
	s7 =	simm.s32 @p2 $0x1082  }
0x22: {  	[simem:s7], [sflag:s8] =	dma.local @!p0 [hbm:s6], $0xF7A  }
0x23: {  	s9 =	sor.u32 $0xD0000000, s2;
	s6 =	simm.s32 $0x108;
	_ =	swait.ge @!p0 [sflag:s8], $0x0  }
0x24: {  	s3 =	sadd.s32 $0x88, s3;
	s6 =	simm.s32 @!p1 $0x1082;
	[sflag:s4] =	ssyncset.s32 $0xFFFFF086  }
0x25: {  	[simem:s6], [sflag:s4] =	dma.local [hbm:s3], $0xF7A  }
0x26: {  	[smem:$0x3F9C] =	sst s1;
	(tag) =	ssettag s2;
	_ =	strace s9  }
0x27: {  	s1 =	sld [smem:$0x3FAC]  }
0x28: {  	s2 =	sld [smem:$0x3FAD]  }
0x29: {  	s4 =	sld [smem:$0x3FAF]  }
0x2a: {  	p0 =	seq.s32 s5, $0x0;
	s5 =	sld [smem:$0x3FB0]  }
0x2b: {  	s6 =	sld [smem:$0x3FB1]  }
0x2c: {  	s7 =	sld [smem:$0x3FB2]  }
0x2d: {  	s3 =	simm.s32 $0x108;
	s8 =	sld [smem:$0x3FB3]  }
0x2e: {  	s3 =	simm.s32 @!p0 $0x1082;
	s9 =	sld [smem:$0x3FB4]  }
0x2f: {  	lr =	sadd.s32 s0, s3;
	s0 =	sld [smem:$0x3FAB]  }
0x30: {  	s3 =	sld [smem:$0x3FAE]  }
0x31: {  	[smem:$0x3FB7] =	sst s10  }
0x32: {  	s10 =	sld [smem:$0x3FB5];
	_ =	sdelay $0x3  }
0x33: {  	p0 =	seq.s32 s10, $0x1;
	s10 =	sld [smem:$0x3FB7];
	_ =	sdelay $0x3  }
0x34: {  	[smem:$0x3FB7] =	sst s10  }
0x35: {  	s10 =	sld [smem:$0x3FB6];
	_ =	sdelay $0x3  }
0x36: {  	p1 =	seq.s32 s10, $0x1;
	s10 =	sld [smem:$0x3FB7];
	_ =	sdelay $0x3  }
0x37: {  	[smem:$0x3FB7] =	sst s10  }
0x38: {  	s10 =	sld [smem:$0x3FB8]  }
0x39: {  	_ = 	snop;
	(pc) =	sbr.ind lr, $3  }
0x3a: {  	_ = 	snop  }
0x3b: {  	_ = 	snop  }
0x3c: {  	p2 =	seq.s32 s10, $0x1;
	s10 =	sld [smem:$0x3FB7]  }
0x3d: {  	_ =	shalt  }
0x3e: {  	_ =	shalt  }
0x3f: {  	_ =	shalt  }
0x40: {  	_ =	shalt  }
0x41: {  	_ =	shalt  }
0x42: {  	_ =	shalt  }
0x43: {  	_ =	shalt  }
0x44: {  	_ =	shalt  }
0x45: {  	_ =	shalt  }
0x46: {  	_ =	shalt  }
0x47: {  	_ =	shalt  }
0x48: {  	_ =	shalt  }
0x49: {  	_ =	shalt  }
0x4a: {  	_ =	shalt  }
0x4b: {  	_ =	shalt  }
0x4c: {  	_ =	shalt  }
0x4d: {  	_ =	shalt  }
0x4e: {  	_ =	shalt  }
0x4f: {  	_ =	shalt  }
0x50: {  	_ =	shalt  }
0x51: {  	_ =	shalt  }
0x52: {  	_ =	shalt  }
0x53: {  	_ =	shalt  }
0x54: {  	_ =	shalt  }
0x55: {  	_ =	shalt  }
0x56: {  	_ =	shalt  }
0x57: {  	_ =	shalt  }
0x58: {  	_ =	shalt  }
0x59: {  	_ =	shalt  }
0x5a: {  	_ =	shalt  }
0x5b: {  	_ =	shalt  }
0x5c: {  	_ =	shalt  }
0x5d: {  	_ =	shalt  }
0x5e: {  	_ =	shalt  }
0x5f: {  	_ =	shalt  }
0x60: {  	_ =	shalt  }
0x61: {  	_ =	shalt  }
0x62: {  	_ =	shalt  }
0x63: {  	_ =	shalt  }
0x64: {  	_ =	shalt  }
0x65: {  	_ =	shalt  }
0x66: {  	_ =	shalt  }
0x67: {  	_ =	shalt  }
0x68: {  	_ =	shalt  }
0x69: {  	_ =	shalt  }
0x6a: {  	_ =	shalt  }
0x6b: {  	_ =	shalt  }
0x6c: {  	_ =	shalt  }
0x6d: {  	_ =	shalt  }
0x6e: {  	_ =	shalt  }
0x6f: {  	_ =	shalt  }
0x70: {  	_ =	shalt  }
0x71: {  	_ =	shalt  }
0x72: {  	_ =	shalt  }
0x73: {  	_ =	shalt  }
0x74: {  	_ =	shalt  }
0x75: {  	_ =	shalt  }
0x76: {  	_ =	shalt  }
0x77: {  	_ =	shalt  }
0x78: {  	_ =	shalt  }
0x79: {  	_ =	shalt  }
0x7a: {  	_ =	shalt  }
0x7b: {  	_ =	shalt  }
0x7c: {  	_ =	shalt  }
0x7d: {  	_ =	shalt  }
0x7e: {  	_ =	shalt  }
0x7f: {  	_ =	shalt  }
0x80: {  	_ =	shalt  }
0x81: {  	_ =	shalt  }
0x82: {  	_ =	shalt  }
0x83: {  	_ =	shalt  }
0x84: {  	_ =	shalt  }
0x85: {  	_ =	shalt  }
0x86: {  	_ =	shalt  }
0x87: {  	_ =	shalt  }
.Lfunc_end0:
.L_simem_size_0:
called_computation_lowered:
.L_overlay_start_0:
0x88: {  	s0 =	sld [smem:$0x3FD9]  }
0x89: {  	s1 =	sld [smem:$0x3FFE];
	_ =	sdelay $0x3  }
0x8a: {  	s0 =	sadd.s32 s1, s0  }
0x8b: {  	[smem:$0x3FC3] =	sst s0  }
0x8c: {  	_ = 	snop  }
0x8d: {  	(tm) =	ssettm $0x1  }
0x8e: {  	s15 =	sld [smem:$0x3FFB];
	_ =	sdelay $0x3  }
0x8f: {  	_ =	strace s15  }
0x90: {  	s0 =	sld [smem:$0x3FFC];
	_ =	sdelay $0x3  }
0x91: {  	_ =	strace s0  }
0x92: {  	s0 =	sld [smem:$0x3FFD];
	_ =	sdelay $0x3  }
0x93: {  	_ =	strace s0  }
0x94: {  	_ =	strace $0x8FFFFFFF  }
0x95: {  	s16 =	sld [smem:$0x3FDB];
	_ =	sdelay $0x1  }
0x96: {  	s17 =	simm.s32 $_scs_section_size  }
0x97: {  	s2 =	simm.s32 $_size__tile_overlayer_lowered;
	s3 =	simm.s32 $_tile_overlayer_lowered  }
0x98: {  	s20 =	simm.s32 $0x1BFF;
	s19 =	sshll.u32 s3, $0x1;
	s0 =	sadd.s32 s17, s16  }
0x99: {  	s4 =	simm.s32 $0x0;
	s18 =	sshll.u32 s2, $0x1;
	s2 =	sadd.s32 s19, s0  }
0x9a: {  	[timem:s4], [sflag:s20] =	dma.local [hbm:s2], s18  }
0x9b: {  	_ =	swait.ge [sflag:s20], s18  }
0x9c: {  	s1 =	ssub.s32 $0x0, s18;
	[sflag:s20] =	ssyncset.done $0x0  }
0x9d: {  	[sflag:s20] =	ssyncadd.s32 s1;
	_ =	sdelay $0x1  }
0x9e: {  	s21 =	simm.s32 $0x1B8B  }
0x9f: {  	_ =	swait.ge [sflag:s21], $0x1  }
0xa0: {  	[sflag:s21] =	ssyncset.done $0x0  }
0xa1: {  	s23 =	simm.s32 $0x1B8E;
	s22 =	sld [smem:$0x3FFE];
	[sflag:s21] =	ssyncadd.s32 $0xFFFFFFFF  }
0xa2: {  	s24 =	simm.s32 $execute0_lowered;
	[smem:$0x3FD2] =	sst s23  }
0xa3: {  	s2 =	sshll.u32 s24, $0x1;
	_ =	strace $0x80000049;
	[dreg:$0x1] =	wrdreg $0xFFFFFFFF  }
0xa4: {  	s25 =	simm.s32 $_size_execute0_lowered;
	s0 =	sadd.s32 s0, s2;
	[dreg:$0x0] =	wrdreg $0x0  }
0xa5: {  	s2 =	sshll.u32 s25, $0x1;
	[dreg:$0x2] =	wrdreg s0  }
0xa6: {  	[dreg:$0x3] =	wrdreg s2  }
0xa7: {  	[dreg:$0x4] =	wrdreg $0xC0  }
0xa8: {  	_ =	task [dreg:s4], $0x5FFFF  }
0xa9: {  	[dreg:$0x1] =	wrdreg $0xFFFFFFFF  }
0xaa: {  	[dreg:$0x0] =	wrdreg $0x60  }
0xab: {  	[dreg:$0x2] =	wrdreg s22  }
0xac: {  	[dreg:$0x3] =	wrdreg $0x9  }
0xad: {  	_ =	task.clear_ibuf [dreg:s4], $0x4FFFF;
	_ =	strace $0x90000049  }
0xae: {  	s26 =	simm.s32 $0x9;
	_ =	strace $0x8000004B  }
0xaf: {  	_ =	swait.ge [sflag:s26], $0x1  }
0xb0: {  	[sflag:s26] =	ssyncadd.s32 $0xFFFFFFFF  }
0xb1: {  	_ =	strace $0x9000004B  }
0xb2: {  	_ =	sfence  }
0xb3: {  	s28 =	sld [smem:$0x0];
	_ =	sdelay $0x1  }
0xb4: {  	s29 =	srdreg.scid  }
0xb5: {  	s30 =	sshll.u32 s29, $0xD;
	s31 =	sshrl.u32 s29, $0x2  }
0xb6: {  	s1 =	sand.u32 $0x1, s29;
	s2 =	sand.u32 $0x4000, s30;
	s0 =	sadd.s32 s31, s28  }
0xb7: {  	s1 =	sor.u32 s2, s1;
	s0 =	sshll.u32 s0, $0x11  }
0xb8: {  	s0 =	sor.u32 s0, s1  }
0xb9: {  	s0 =	sadd.s32 $0x8F2B, s0  }
0xba: {  	[sflag:s0] =	ssyncadd.remote.s32 $0x1  }
0xbb: {  	_ =	sfence.sel $0xFFFF  }
0xbc: {  	[dreg:$0x0] =	wrdreg $0xFFFFFFFF;
	(pc) =	sbr.abs _section_cstart, $3  }
0xbd: {  	[dreg:$0x1] =	wrdreg $0xFFFFFFFF  }
0xbe: {  	_ =	task.clear_ibuf [dreg:s4], $0x2FFFF;
	_ =	strace $0x9FFFFFFF  }
0xbf: {  	(tm) =	ssettm $0x7FFFFFFF  }
tec
execute0_lowered:
.L_overlay_start_1:
0x0: {  	(tag) =	ssettag $0x1  }
0x1: {  	s8 =	rddreg [dreg:$0x0]  }
0x2: {  	s0 =	rddreg [dreg:$0x1];
	_ =	strace $0x8000004A  }
0x3: {  	s1 =	stileid.u32;
	s5 =	simm.s32 $0x1;
	s6 =	simm.s32 $0x500  }
0x4: {  	s9 =	simm.s32 $0x1;
	s10 =	simm.s32 $0x3;
	s13 =	simm.s32 $0x0  }
0x5: {  	s12 =	simm.s32 $0x0;
	s2 =	sadd.s32 $0x50A00, s8;
	s4 =	smul.u32 $0x50, s1  }
0x6: {  	s3 =	sadd.s32 $0x50000, s8;
	p0 =	slt.u32 s1, $0xA;
	[sflag:s5] =	ssyncpa.u1 $0x0  }
.Ltmp0:
0x7: {  	s6 =	simm.s32 @!p0 $0x0;
	s7 =	ssub.s32 $0x7D0, s4;
	(pc) =	sbr.rel .LBB2_1-.Ltmp0, $4  }
0x8: {  	s9 =	simm.s32 @!p0 $0x0;
	p0 =	sne.s32 s7, s6;
	s7 =	simm.s32 $0x1  }
0x9: {  	s8 =	sadd.s32 $0x50200, s8;
	s6 =	simm.s32 $0x2;
	s7 =	simm.s32 @!p0 $0x0  }
0xa: {  	s11 =	smov.u32 s4;
	[sflag:s6] =	ssyncpa.u1 $0x0;
	s7 =	sadd.s32 s9, s7  }
0xb: {  	vm0 =	vmmov $0xffff;
	[sflag:s10] =	ssyncpa.u1 $0x0;
	s10 =	simm.s32 $0x0;
	s9 =	sadd.s32 $0x1, s7  }
.LBB2_4:
0xc: {  	v2 =	vnsel vm1, $0x0, v2  }
0xd: {  	vm1 =	vgt.s32 v0, $0x0;
	v2 =	vmin.u32 v2, $0x3FFF  }
0xe: {  	v0 =	vnsel vm1, $0x0, v0  }
0xf: {  	v0 =	vmin.u32 v0, $0x3FFF  }
0x10: {  	[tilespmem:s18], [sflag:$0x1] =	stream.indirect_vreg.gather [hbm4b:s2+s10], $0x1, v1, vm0, $0x4038;
	[tilespmem:$0x140] =	vst v63  }
0x11: {  	(ifvalue) =	ssetifvalue $0x7FFFFFFF  }
0x12: {  	[tilespmem:s15], [sflag:$0x1] =	stream.indirect_vreg.gather [hbm4b:s2+s10], $0x1, v2, vm0, $0x4038;
	[tilespmem:$0x140] =	vst v63  }
0x13: {  	s29 =	sadd.s32 $0x10, s15;
	(ifvalue) =	ssetifvalue $0x7FFFFFFF  }
0x14: {  	[tilespmem:s29], [sflag:$0x1] =	stream.indirect_vreg.gather [hbm4b:s2+s10], $0x1, v0, vm0, $0x4038;
	[tilespmem:$0x140] =	vst v63  }
0x15: {  	_ =	swait.ge [sflag:s5], $0x50  }
0x16: {  	s30 =	sshrl.u32 s13, $0x3;
	[sflag:s5] =	ssyncset.done $0x0  }
0x17: {  	s31 =	sand.u32 $0x7, s13;
	s15 =	sadd.s32 s8, s30;
	[sflag:s5] =	ssyncadd.s32 $0xFFFFFFB0  }
0x18: {  	[hbm4b:s15+s31] =	stream.linear.scatter [tilespmem:s14], [sflag:$0x3], $0x50, $0x38;
	[tilespmem:$0x140] =	vst v63  }
.LBB2_5:
0x19: {  	s15 =	sadd.s32 $0x500, s11  }
0x1a: {  	p1 =	sgt.s32 s15, $0x7CF  }
0x1b: {  	s15 =	smov.u32 @p1 s4;
	p1 =	sne.s32 s12, s9  }
.Ltmp1:
0x1c: {  	p0 =	slt.u32 s12, $0x2;
	(pc) =	sbr.rel @!p1 .LBB2_6-.Ltmp1, $4  }
0x1d: {  	s14 =	simm.s32 @!p0 $0x3  }
0x1e: {  	_ =	swait.ge @!p0 [sflag:s14], $0x50  }
0x1f: {  	s16 =	sadd.s32 $0x1, s12;
	s13 =	smov.u32 s11;
	[sflag:s14] =	ssyncset.done @!p0 $0x0  }
0x20: {  	s12 =	smov.u32 s16;
	s11 =	smov.u32 s15;
	[sflag:s14] =	ssyncadd.s32 @!p0 $0xFFFFFFB0  }
.LBB2_1:
0x21: {  	p0 =	sge.u32 s12, s7  }
0x22: {  	s14 =	sxor.u32 @!p0 $0x1, s12  }
0x23: {  	s14 =	smul.u32 @!p0 $0x140, s14  }
0x24: {  	s31 =	sadd.s32 $0xFFFFFFFF, s12;
	s15 =	sshrl.u32 @!p0 s11, $0x3  }
0x25: {  	s16 =	sand.u32 @!p0 $0x7, s11;
	s15 =	sadd.s32 @!p0 s3, s15;
	s14 =	sshra.s32 @!p0 s14, $0x2  }
0x26: {  	[tilespmem:s14], [sflag:$0x2] =	stream.linear.gather @!p0 [hbm4b:s15+s16], $0x50, $0x38;
	[tilespmem:$0x140] =	vst v63  }
0x27: {  	p0 =	sge.u32 s31, s7  }
.Ltmp2:
0x28: {  	_ = 	snop;
	(pc) =	sbr.rel @p0 .LBB2_5-.Ltmp2, $1  }
0x29: {  	_ =	sdelay $0x3  }
0x2a: {  	s14 =	sand.u32 $0x1, s12  }
0x2b: {  	_ =	swait.ge [sflag:s6], $0x50;
	p0 =	seq.s32 s14, $0x1;
	s14 =	simm.s32 $0x50  }
0x2c: {  	[sflag:s6] =	ssyncset.done $0x0;
	s14 =	simm.s32 @!p0 $0x0  }
0x2d: {  	[sflag:s6] =	ssyncadd.s32 $0xFFFFFFB0;
	(ifvalue) =	ssetifvalue $0x7FFFFFFF;
	v0 =	vld.msk [tilespmem:s14+$0x0 ss:$0x1], $0xffff;
	_ =	sdelay $0x4  }
0x2e: {  	s15 =	sadd.s32 $0x10, s14;
	vm1 =	vgt.s32 v0, $0x0  }
0x2f: {  	v2 =	vld.msk [tilespmem:s15+$0x0 ss:$0x1], $0xffff;
	v1 =	vnsel vm1, $0x0, v0  }
0x30: {  	v1 =	vmin.u32 v1, $0x3FFF;
	_ =	sdelay $0x2  }
0x31: {  	s17 =	simm.s32 $0x20;
	s14 =	sor.u32 $0xA0, s14;
	s16 =	sadd.s32 $0x10, s15  }
0x32: {  	s15 =	sadd.s32 $0x10, s14;
	s18 =	smov.u32 s14;
	v0 =	vld.msk [tilespmem:s16+$0x0 ss:$0x1], $0xffff;
	vm1 =	vgt.s32 v2, $0x0;
	(ifvalue) =	ssetifvalue $0x7FFFFFFF  }
.LBB2_3:
0x33: {  	[tilespmem:s18], [sflag:$0x1] =	stream.indirect_vreg.gather [hbm4b:s2+s10], $0x1, v1, vm0, $0x4038;
	[tilespmem:$0x140] =	vst v63  }
0x34: {  	s17 =	sadd.s32 $0x10, s17  }
0x35: {  	v2 =	vnsel vm1, $0x0, v2;
	p0 =	slt.u32 s17, $0x40  }
.Ltmp3:
0x36: {  	s18 =	smov.u32 s15;
	v1 =	vmin.u32 v2, $0x3FFF;
	(pc) =	sbr.rel @p0 .LBB2_3-.Ltmp3, $3  }
0x37: {  	_ =	sdelay $0x1  }
0x38: {  	s16 =	sadd.s32 $0x10, s16  }
0x39: {  	vm1 =	vgt.s32 v0, $0x0;
	s15 =	sadd.s32 $0x10, s15;
	v2 =	vmov v0;
	(ifvalue) =	ssetifvalue $0x7FFFFFFF;
	v0 =	vld.msk [tilespmem:s16+$0x0 ss:$0x1], $0xffff  }
.Ltmp4:
0x3a: {  	_ = 	snop;
	(pc) =	sbr.rel .LBB2_4-.Ltmp4, $1  }
0x3b: {  	_ =	sdelay $0x3  }
.LBB2_6:
0x3c: {  	_ =	sfence.sel $0x180000  }
0x3d: {  	s2 =	simm.s32 $0x2;
	[bflag:$0x0] =	sbarrier.arrive $0xFFFF  }
0x3e: {  	s30 =	simm.s32 $0x3;
	[sflag:s2] =	ssyncpa.u1 $0x1  }
0x3f: {  	s31 =	simm.s32 $0x1;
	[sflag:s30] =	ssyncpa.u1 $0x1  }
0x40: {  	[sflag:s31] =	ssyncpa.u1 $0x1  }
0x41: {  	p0 =	sne.s32 s1, $0x0;
	_ =	strace $0x9000004A  }
0x42: {  	s0 =	sadd.s32 @!p0 $0x100000, s0;
	[bflag:$0x2] =	sbarrier.arrive $0xFFFF  }
0x43: {  	[sflag:s0] =	ssyncadd.tile.s32 @!p0 $0x1;
	_ =	shalt  }
.Lfunc_end2:
_tile_overlayer_lowered:
.L_overlay_start_2:
0x44: {  	(tag) =	ssettag $0x2  }
0x45: {  	s0 =	rddreg [dreg:$0x0];
	s2 =	stileid.u32  }
0x46: {  	s1 =	rddreg [dreg:$0x1];
	p0 =	sne.s32 s2, $0x0  }
0x47: {  	s3 =	rddreg [dreg:$0x2];
	[bflag:$0x3] =	sbarrier.arrive $0xFFFF;
	s2 =	simm.s32 @!p0 $0x1C01  }
0x48: {  	[timem:s3], [sflag:s2] =	dma.local @!p0 [hbm:s0], s1  }
0x49: {  	s0 =	simm.s32 @!p0 $0x1  }
0x4a: {  	_ =	swait.ge @!p0 [sflag:s0], s1  }
0x4b: {  	s1 =	ssub.s32 @!p0 $0x0, s1;
	[sflag:s0] =	ssyncset.done @!p0 $0x0  }
0x4c: {  	[sflag:s0] =	ssyncadd.s32 @!p0 s1  }
0x4d: {  	[bflag:$0x3] =	sbarrier.arrive $0xFFFF  }
0x4e: {  	_ =	shalt  }

</sc_bundles>
